<compile_context>
chip_gen: v7x
topology: tpu7x:2x2x1
jax: 0.10.2.dev20260603
libtpu: 0.0.44.dev20260713+nightly
codegen_flags: <defaults>
</compile_context>

<pallas_src>
import functools

import jax
import jax.numpy as jnp
from jax import lax
from jax.experimental import pallas as pl
from jax.experimental.pallas import tpu as pltpu
from jax.experimental.pallas import tpu_sc as plsc

N_NODES = 100000
N_EDGES = 1600000
F = 50
N_GRAPHS = 64
N_OUT = 128

FP = 128
FOFF = 64
N_P2 = 100352
E_PAD = 1605632
NW = 32
EPW = E_PAD // NW
GW = 112
NGWIN = EPW // GW
SW = 4096
NSWIN = E_PAD // SW
EB = 8192
NEB = E_PAD // EB


def _sc_gather_body(u_hbm, v_hbm, dst_hbm, src_hbm, pre_hbm,
                    dstw, srcw, ubuf, vbuf, obuf,
                    gu0, gu1, gv0, gv1, st0, st1):
    c = lax.axis_index("c")
    s = lax.axis_index("s")
    wid = s * 2 + c
    base0 = wid * EPW
    gus = (gu0, gu1)
    gvs = (gv0, gv1)
    sts = (st0, st1)

    def _load_idx(k, b):
        pltpu.sync_copy(dst_hbm.at[pl.ds(base0 + k * GW, GW)], dstw.at[b])
        pltpu.sync_copy(src_hbm.at[pl.ds(base0 + k * GW, GW)], srcw.at[b])

    def _issue_gather(b):
        pltpu.async_copy(u_hbm.at[dstw.at[b]], ubuf.at[b], gus[b])
        pltpu.async_copy(v_hbm.at[srcw.at[b]], vbuf.at[b], gvs[b])

    def _wait_gather(b):
        pltpu.make_async_copy(u_hbm.at[dstw.at[b]], ubuf.at[b], gus[b]).wait()
        pltpu.make_async_copy(v_hbm.at[srcw.at[b]], vbuf.at[b], gvs[b]).wait()

    for b in range(2):
        _load_idx(b, b)
        _issue_gather(b)

    def _win2(k2, _):
        for b in range(2):
            k = k2 * 2 + b
            _wait_gather(b)

            @pl.when(k >= 2)
            def _wst():
                pltpu.make_async_copy(
                    obuf.at[b],
                    pre_hbm.at[pl.ds(base0 + (k - 2) * GW, GW)],
                    sts[b]).wait()

            def _row(r, _):
                for ci in range(FP // 16):
                    sl = pl.ds(ci * 16, 16)
                    obuf[b, r, sl] = ubuf[b, r, sl] + vbuf[b, r, sl]
                return 0
            lax.fori_loop(0, GW, _row, 0)
            pltpu.async_copy(obuf.at[b],
                             pre_hbm.at[pl.ds(base0 + k * GW, GW)], sts[b])

            @pl.when(k + 2 < NGWIN)
            def _pref():
                _load_idx(k + 2, b)
                _issue_gather(b)
        return 0
    lax.fori_loop(0, NGWIN // 2, _win2, 0)

    for b in range(2):
        k = NGWIN - 2 + b
        pltpu.make_async_copy(
            obuf.at[b], pre_hbm.at[pl.ds(base0 + k * GW, GW)], sts[b]).wait()


@jax.jit
def _sc_gather(u, v, dst_p, src_p):
    mesh = plsc.VectorSubcoreMesh(core_axis_name="c", subcore_axis_name="s")
    return pl.kernel(
        _sc_gather_body,
        out_type=jax.ShapeDtypeStruct((E_PAD, FP), jnp.float32),
        mesh=mesh,
        scratch_types=[
            pltpu.VMEM((2, GW), jnp.int32),
            pltpu.VMEM((2, GW), jnp.int32),
            pltpu.VMEM((2, GW, FP), jnp.float32),
            pltpu.VMEM((2, GW, FP), jnp.float32),
            pltpu.VMEM((2, GW, FP), jnp.float32),
            pltpu.SemaphoreType.DMA,
            pltpu.SemaphoreType.DMA,
            pltpu.SemaphoreType.DMA,
            pltpu.SemaphoreType.DMA,
            pltpu.SemaphoreType.DMA,
            pltpu.SemaphoreType.DMA,
        ],
        name="sc_gather_pre",
    )(u, v, dst_p, src_p)


def _sc_scatter_body(msgt_hbm, dst_hbm, aggt_hbm, acc, dstb, colb,
                     sd0, sd1, sc0, sc1):
    c = lax.axis_index("c")
    s = lax.axis_index("s")
    wid = s * 2 + c
    sds = (sd0, sd1)
    scs = (sc0, sc1)

    def _zero(i, _):
        for u in range(4):
            acc[pl.ds((i * 4 + u) * 16, 16)] = jnp.zeros((16,), jnp.float32)
        return 0

    def _issue(col, k, b):
        pltpu.async_copy(dst_hbm.at[pl.ds(k * SW, SW)], dstb.at[b], sds[b])
        pltpu.async_copy(msgt_hbm.at[col, 0, pl.ds(k * SW, SW)],
                         colb.at[b], scs[b])

    def _wait(col, k, b):
        pltpu.make_async_copy(dst_hbm.at[pl.ds(k * SW, SW)],
                              dstb.at[b], sds[b]).wait()
        pltpu.make_async_copy(msgt_hbm.at[col, 0, pl.ds(k * SW, SW)],
                              colb.at[b], scs[b]).wait()

    def _pass(col):
        lax.fori_loop(0, N_P2 // 64, _zero, 0)
        _issue(col, 0, 0)
        _issue(col, 1, 1)

        def _win2(k2, _):
            for b in range(2):
                k = k2 * 2 + b
                _wait(col, k, b)

                def _vec(j, _):
                    for u in range(4):
                        off = (j * 4 + u) * 16
                        d = dstb[b, pl.ds(off, 16)]
                        val = colb[b, pl.ds(off, 16)]
                        plsc.addupdate_scatter(acc, [d], val)
                    return 0
                lax.fori_loop(0, SW // 64, _vec, 0)

                @pl.when(k + 2 < NSWIN)
                def _pref():
                    _issue(col, k + 2, b)
            return 0
        lax.fori_loop(0, NSWIN // 2, _win2, 0)
        pltpu.sync_copy(acc, aggt_hbm.at[col, 0])

    _pass(wid)

    @pl.when(wid < F - NW)
    def _second():
        _pass(wid + NW)


@jax.jit
def _sc_scatter(msg_t, dst_p):
    mesh = plsc.VectorSubcoreMesh(core_axis_name="c", subcore_axis_name="s")
    return pl.kernel(
        _sc_scatter_body,
        out_type=jax.ShapeDtypeStruct((F, 1, N_P2), jnp.float32),
        mesh=mesh,
        scratch_types=[
            pltpu.VMEM((N_P2,), jnp.float32),
            pltpu.VMEM((2, SW), jnp.int32),
            pltpu.VMEM((2, SW), jnp.float32),
            pltpu.SemaphoreType.DMA,
            pltpu.SemaphoreType.DMA,
            pltpu.SemaphoreType.DMA,
            pltpu.SemaphoreType.DMA,
        ],
        compiler_params=pltpu.CompilerParams(needs_layout_passes=False),
        name="sc_scatter_cols",
    )(msg_t, dst_p)


def _tc_msg_body(pre_ref, ea_ref, we_ref, bc_ref, out_ref):
    i = pl.program_id(0)
    t = (pre_ref[...]
         + jnp.dot(ea_ref[...], we_ref[...],
                   preferred_element_type=jnp.float32)
         + bc_ref[0:1, :])
    fpart = t[:, :F]
    spart = t[:, FOFF:FOFF + F]
    sp = jnp.maximum(spart, 0.0) + jnp.log1p(jnp.exp(-jnp.abs(spart)))
    m = jax.nn.sigmoid(fpart) * sp
    rows = i * EB + jax.lax.broadcasted_iota(jnp.int32, (EB, 1), 0)
    m = jnp.where(rows < N_EDGES, m, 0.0)
    out_ref[...] = m.T.reshape(F, 1, EB)


@jax.jit
def _tc_msg(pre, eap, we, bc):
    return pl.pallas_call(
        _tc_msg_body,
        grid=(NEB,),
        in_specs=[
            pl.BlockSpec((EB, FP), lambda i: (i, 0)),
            pl.BlockSpec((EB, 16), lambda i: (i, 0)),
            pl.BlockSpec((16, FP), lambda i: (0, 0)),
            pl.BlockSpec((8, FP), lambda i: (0, 0)),
        ],
        out_specs=pl.BlockSpec((F, 1, EB), lambda i: (0, 0, i)),
        out_shape=jax.ShapeDtypeStruct((F, 1, E_PAD), jnp.float32),
        name="tc_msg",
    )(pre, eap, we, bc)


def _final_head(enc_ref, w_ref, b_ref, out_ref):
    enc = enc_ref[...]
    logits = jnp.dot(enc, w_ref[...], preferred_element_type=jnp.float32) + b_ref[...]
    mx = jnp.max(logits, axis=-1, keepdims=True)
    sft = logits - mx
    lse = jnp.log(jnp.sum(jnp.exp(sft), axis=-1, keepdims=True))
    out_ref[...] = sft - lse


def _pack_weights(Wf, bf, Ws, bs):
    Wp = jnp.zeros((2 * F + 16, FP), jnp.float32)
    Wp = Wp.at[:, :F].set(Wf).at[:, FOFF:FOFF + F].set(Ws)
    bc = jnp.zeros((FP,), jnp.float32)
    bc = bc.at[:F].set(bf).at[FOFF:FOFF + F].set(bs)
    return Wp, jnp.broadcast_to(bc[None, :], (8, FP))


def _layer(hp, dst_p, src_p, eap, Wp, bc8):
    u = hp @ Wp[:F]
    v = hp @ Wp[F:2 * F]
    pre = _sc_gather(u, v, dst_p, src_p)
    msg_t = _tc_msg(pre, eap, Wp[2 * F:], bc8)
    agg_t = _sc_scatter(msg_t, dst_p)
    return jax.nn.relu(hp + agg_t[:, 0, :].T)


def _pool(h, batch):
    mx = jax.ops.segment_max(h, batch, num_segments=N_GRAPHS)
    mx = jnp.where(jnp.isfinite(mx), mx, 0.0)
    sm = jax.ops.segment_sum(h, batch, num_segments=N_GRAPHS)
    cnt = jax.ops.segment_sum(jnp.ones((h.shape[0],), dtype=h.dtype),
                              batch, num_segments=N_GRAPHS)
    mean = sm / jnp.maximum(cnt, 1.0)[:, None]
    return jnp.concatenate([mx, mean], axis=1)


def kernel(x, edge_index, edge_attr, batch, Wf1, bf1, Ws1, bs1, Wf2, bf2, Ws2, bs2, Wf3, bf3, Ws3, bs3, W_lin, b_lin):
    src = edge_index[0]
    dst = edge_index[1]
    npad = E_PAD - N_EDGES
    filler = (jnp.arange(npad, dtype=jnp.int32) * 61) % N_NODES
    dst_p = jnp.concatenate([dst, filler])
    src_p = jnp.concatenate([src, filler])
    eap = jnp.pad(edge_attr, ((0, npad), (0, 0)))
    hp = jnp.pad(x, ((0, N_P2 - N_NODES), (0, 0)))

    xs = []
    for (Wf, bf, Ws, bs) in ((Wf1, bf1, Ws1, bs1),
                             (Wf2, bf2, Ws2, bs2),
                             (Wf3, bf3, Ws3, bs3)):
        Wp, bc8 = _pack_weights(Wf, bf, Ws, bs)
        hp = _layer(hp, dst_p, src_p, eap, Wp, bc8)
        xs.append(_pool(hp[:N_NODES], batch))
    enc = xs[0] + xs[1] + xs[2]

    out = pl.pallas_call(
        _final_head,
        out_shape=jax.ShapeDtypeStruct((N_GRAPHS, N_OUT), jnp.float32),
    )(enc, W_lin, b_lin)
    return (out, jax.lax.stop_gradient(enc))

# --- scband reference (transcript-rebuilt; emitter-appended) ---
"""Pipeline reference for scband-encoder-v2-21174188769500 (READ-ONLY COPY).

The authoritative reference and input builder live on the scoring server;
editing this copy changes nothing except your own understanding.
"""

import jax, jax.numpy as jnp
import numpy as np

N_NODES = 100000
N_EDGES = 1600000
F_IN = 50
D_EDGE = 16
N_GRAPHS = 64
N_OUT = 128
Z_DIM = 2 * F_IN + D_EDGE


def setup_inputs(seed: int = 0):
    key = jax.random.key(seed)
    ks = jax.random.split(key, 20)
    inp = {}
    inp["x"] = jax.random.normal(ks[0], (N_NODES, F_IN), dtype=jnp.float32)
    inp["edge_index"] = jax.random.randint(ks[1], (2, N_EDGES), 0, N_NODES, dtype=jnp.int32)
    inp["edge_attr"] = jax.random.normal(ks[2], (N_EDGES, D_EDGE), dtype=jnp.float32)
    inp["batch"] = jnp.sort(jax.random.randint(ks[3], (N_NODES,), 0, N_GRAPHS, dtype=jnp.int32))
    for i, layer in enumerate(["1", "2", "3"]):
        inp["Wf" + layer] = jax.random.normal(ks[4 + 3 * i], (Z_DIM, F_IN), dtype=jnp.float32) * (1.0 / np.sqrt(Z_DIM))
        inp["bf" + layer] = jnp.zeros((F_IN,), dtype=jnp.float32)
        inp["Ws" + layer] = jax.random.normal(ks[5 + 3 * i], (Z_DIM, F_IN), dtype=jnp.float32) * (1.0 / np.sqrt(Z_DIM))
        inp["bs" + layer] = jnp.zeros((F_IN,), dtype=jnp.float32)
    inp["W_lin"] = jax.random.normal(ks[14], (2 * F_IN, N_OUT), dtype=jnp.float32) * (1.0 / np.sqrt(2 * F_IN))
    inp["b_lin"] = jnp.zeros((N_OUT,), dtype=jnp.float32)
    return inp


def _cgconv(x, edge_index, edge_attr, Wf, bf, Ws, bs):
    # PyG CGConv (aggr='add', batch_norm=False):
    # z = [x_i, x_j, e_ij]; out = x + sum_j sigmoid(z W_f) * softplus(z W_s)
    src = edge_index[0]
    dst = edge_index[1]
    z = jnp.concatenate([x[dst], x[src], edge_attr], axis=1)
    msg = jax.nn.sigmoid(z @ Wf + bf) * jax.nn.softplus(z @ Ws + bs)
    agg = jax.ops.segment_sum(msg, dst, num_segments=x.shape[0])
    return x + agg


def _pool(x, batch):
    mx = jax.ops.segment_max(x, batch, num_segments=N_GRAPHS)
    mx = jnp.where(jnp.isfinite(mx), mx, 0.0)
    s = jax.ops.segment_sum(x, batch, num_segments=N_GRAPHS)
    cnt = jax.ops.segment_sum(jnp.ones((x.shape[0],), dtype=x.dtype), batch, num_segments=N_GRAPHS)
    mean = s / jnp.maximum(cnt, 1.0)[:, None]
    return jnp.concatenate([mx, mean], axis=1)


def reference(x, edge_index, edge_attr, batch, Wf1, bf1, Ws1, bs1, Wf2, bf2, Ws2, bs2, Wf3, bf3, Ws3, bs3, W_lin, b_lin):
    h = jax.nn.relu(_cgconv(x, edge_index, edge_attr, Wf1, bf1, Ws1, bs1))
    x1 = _pool(h, batch)
    h = jax.nn.relu(_cgconv(h, edge_index, edge_attr, Wf2, bf2, Ws2, bs2))
    x2 = _pool(h, batch)
    h = jax.nn.relu(_cgconv(h, edge_index, edge_attr, Wf3, bf3, Ws3, bs3))
    x3 = _pool(h, batch)
    enc = x1 + x2 + x3
    out = jax.nn.log_softmax(enc @ W_lin + b_lin, axis=-1)
    return (out, jax.lax.stop_gradient(enc))

if __name__ == "__main__":
    import jax
    _d = setup_inputs()
    print(jax.jit(kernel)(*tuple(_d.values())))

</pallas_src>

<mosaic_0001>
#map = affine_map<(d0, d1) -> (0, 0)>
#map1 = affine_map<(d0, d1) -> (0)>
module attributes {stable_mosaic.version = 14 : i64} {
  func.func @sc_gather_pre(%arg0: i32, %arg1: i32, %arg2: memref<100352x128xf32, #tpu.memory_space<hbm>>, %arg3: memref<100352x128xf32, #tpu.memory_space<hbm>>, %arg4: memref<1605632xi32, #tpu.memory_space<hbm>>, %arg5: memref<1605632xi32, #tpu.memory_space<hbm>>, %arg6: memref<1605632x128xf32, #tpu.memory_space<hbm>>, %arg7: memref<2x112xi32, #tpu.memory_space<vmem>>, %arg8: memref<2x112xi32, #tpu.memory_space<vmem>>, %arg9: memref<2x112x128xf32, #tpu.memory_space<vmem>>, %arg10: memref<2x112x128xf32, #tpu.memory_space<vmem>>, %arg11: memref<2x112x128xf32, #tpu.memory_space<vmem>>, %arg12: memref<!tpu.dma_semaphore, #tpu.memory_space<semaphore_mem>>, %arg13: memref<!tpu.dma_semaphore, #tpu.memory_space<semaphore_mem>>, %arg14: memref<!tpu.dma_semaphore, #tpu.memory_space<semaphore_mem>>, %arg15: memref<!tpu.dma_semaphore, #tpu.memory_space<semaphore_mem>>, %arg16: memref<!tpu.dma_semaphore, #tpu.memory_space<semaphore_mem>>, %arg17: memref<!tpu.dma_semaphore, #tpu.memory_space<semaphore_mem>>) attributes {dimension_semantics = [#tpu.dimension_semantics<core_parallel>, #tpu.dimension_semantics<subcore_parallel>], iteration_bounds = array<i64: 2, 16>, scalar_prefetch = 0 : i64, scratch_operands = 11 : i64, tpu.core_type = #tpu.core_type<sc_vector_subcore>, window_params = [{transform_indices = #map}, {transform_indices = #map}, {transform_indices = #map1}, {transform_indices = #map1}, {transform_indices = #map}]} {
    %mul3A = arith.constant 2 : i32
    %mul3A_0 = arith.muli %arg1, %mul3A : i32
    %add3A = arith.addi %mul3A_0, %arg0 : i32
    %mul3A_1 = arith.constant 50176 : i32
    %mul3A_2 = arith.muli %add3A, %mul3A_1 : i32
    %add3A_3 = arith.constant 0 : i32
    %add3A_4 = arith.addi %mul3A_2, %add3A_3 : i32
    %run_scoped3A = arith.constant 0 : i32
    "tpu.region"() ({
      %run_scoped3A_96 = tpu.sem_alloc : memref<!tpu.dma_semaphore, #tpu.memory_space<semaphore_mem>>
      %dma_start3A_97 = arith.constant 0 : i32
      %dma_start3A_98 = tpu.memref_slice %arg7[%run_scoped3A, %dma_start3A_97] : memref<2x112xi32, #tpu.memory_space<vmem>> -> memref<1x112xi32, #tpu.memory_space<vmem>>
      %dma_start3A_99 = tpu.memref_squeeze %dma_start3A_98 : memref<1x112xi32, #tpu.memory_space<vmem>> -> memref<112xi32, #tpu.memory_space<vmem>>
      %dma_start3A_100 = tpu.memref_slice %arg4[%add3A_4] : memref<1605632xi32, #tpu.memory_space<hbm>> -> memref<112xi32, #tpu.memory_space<hbm>>
      %dma_start3A_101 = arith.constant 0 : i32
      %dma_start3A_102 = tpu.memref_slice %arg7[%run_scoped3A, %dma_start3A_101] : memref<2x112xi32, #tpu.memory_space<vmem>> -> memref<1x112xi32, #tpu.memory_space<vmem>>
      %dma_start3A_103 = tpu.memref_squeeze %dma_start3A_102 : memref<1x112xi32, #tpu.memory_space<vmem>> -> memref<112xi32, #tpu.memory_space<vmem>>
      %dma_start3A_104 = tpu.memref_slice %arg4[%add3A_4] : memref<1605632xi32, #tpu.memory_space<hbm>> -> memref<112xi32, #tpu.memory_space<hbm>>
      tpu.enqueue_dma source(%dma_start3A_104 : memref<112xi32, #tpu.memory_space<hbm>>) target(%dma_start3A_103 : memref<112xi32, #tpu.memory_space<vmem>>) target_semaphore(%run_scoped3A_96 : memref<!tpu.dma_semaphore, #tpu.memory_space<semaphore_mem>>)
      %dma_wait3A_105 = arith.constant 0 : i32
      %dma_wait3A_106 = tpu.memref_slice %arg7[%run_scoped3A, %dma_wait3A_105] : memref<2x112xi32, #tpu.memory_space<vmem>> -> memref<1x112xi32, #tpu.memory_space<vmem>>
      %dma_wait3A_107 = tpu.memref_squeeze %dma_wait3A_106 : memref<1x112xi32, #tpu.memory_space<vmem>> -> memref<112xi32, #tpu.memory_space<vmem>>
      %dma_wait3A_108 = tpu.memref_slice %arg4[%add3A_4] : memref<1605632xi32, #tpu.memory_space<hbm>> -> memref<112xi32, #tpu.memory_space<hbm>>
      %dma_wait3A_109 = arith.constant 0 : i32
      %dma_wait3A_110 = tpu.memref_slice %arg7[%run_scoped3A, %dma_wait3A_109] : memref<2x112xi32, #tpu.memory_space<vmem>> -> memref<1x112xi32, #tpu.memory_space<vmem>>
      %dma_wait3A_111 = tpu.memref_squeeze %dma_wait3A_110 : memref<1x112xi32, #tpu.memory_space<vmem>> -> memref<112xi32, #tpu.memory_space<vmem>>
      %dma_wait3A_112 = tpu.memref_slice %arg4[%add3A_4] : memref<1605632xi32, #tpu.memory_space<hbm>> -> memref<112xi32, #tpu.memory_space<hbm>>
      tpu.wait_dma2 semaphore(%run_scoped3A_96 : memref<!tpu.dma_semaphore, #tpu.memory_space<semaphore_mem>>) src(%dma_wait3A_112 : memref<112xi32, #tpu.memory_space<hbm>>) dst(%dma_wait3A_111 : memref<112xi32, #tpu.memory_space<vmem>>)
      tpu.yield
    }) : () -> ()
    %add3A_5 = arith.constant 0 : i32
    %add3A_6 = arith.addi %mul3A_2, %add3A_5 : i32
    %run_scoped3A_7 = arith.constant 0 : i32
    "tpu.region"() ({
      %run_scoped3A_96 = tpu.sem_alloc : memref<!tpu.dma_semaphore, #tpu.memory_space<semaphore_mem>>
      %dma_start3A_97 = arith.constant 0 : i32
      %dma_start3A_98 = tpu.memref_slice %arg8[%run_scoped3A_7, %dma_start3A_97] : memref<2x112xi32, #tpu.memory_space<vmem>> -> memref<1x112xi32, #tpu.memory_space<vmem>>
      %dma_start3A_99 = tpu.memref_squeeze %dma_start3A_98 : memref<1x112xi32, #tpu.memory_space<vmem>> -> memref<112xi32, #tpu.memory_space<vmem>>
      %dma_start3A_100 = tpu.memref_slice %arg5[%add3A_6] : memref<1605632xi32, #tpu.memory_space<hbm>> -> memref<112xi32, #tpu.memory_space<hbm>>
      %dma_start3A_101 = arith.constant 0 : i32
      %dma_start3A_102 = tpu.memref_slice %arg8[%run_scoped3A_7, %dma_start3A_101] : memref<2x112xi32, #tpu.memory_space<vmem>> -> memref<1x112xi32, #tpu.memory_space<vmem>>
      %dma_start3A_103 = tpu.memref_squeeze %dma_start3A_102 : memref<1x112xi32, #tpu.memory_space<vmem>> -> memref<112xi32, #tpu.memory_space<vmem>>
      %dma_start3A_104 = tpu.memref_slice %arg5[%add3A_6] : memref<1605632xi32, #tpu.memory_space<hbm>> -> memref<112xi32, #tpu.memory_space<hbm>>
      tpu.enqueue_dma source(%dma_start3A_104 : memref<112xi32, #tpu.memory_space<hbm>>) target(%dma_start3A_103 : memref<112xi32, #tpu.memory_space<vmem>>) target_semaphore(%run_scoped3A_96 : memref<!tpu.dma_semaphore, #tpu.memory_space<semaphore_mem>>)
      %dma_wait3A_105 = arith.constant 0 : i32
      %dma_wait3A_106 = tpu.memref_slice %arg8[%run_scoped3A_7, %dma_wait3A_105] : memref<2x112xi32, #tpu.memory_space<vmem>> -> memref<1x112xi32, #tpu.memory_space<vmem>>
      %dma_wait3A_107 = tpu.memref_squeeze %dma_wait3A_106 : memref<1x112xi32, #tpu.memory_space<vmem>> -> memref<112xi32, #tpu.memory_space<vmem>>
      %dma_wait3A_108 = tpu.memref_slice %arg5[%add3A_6] : memref<1605632xi32, #tpu.memory_space<hbm>> -> memref<112xi32, #tpu.memory_space<hbm>>
      %dma_wait3A_109 = arith.constant 0 : i32
      %dma_wait3A_110 = tpu.memref_slice %arg8[%run_scoped3A_7, %dma_wait3A_109] : memref<2x112xi32, #tpu.memory_space<vmem>> -> memref<1x112xi32, #tpu.memory_space<vmem>>
      %dma_wait3A_111 = tpu.memref_squeeze %dma_wait3A_110 : memref<1x112xi32, #tpu.memory_space<vmem>> -> memref<112xi32, #tpu.memory_space<vmem>>
      %dma_wait3A_112 = tpu.memref_slice %arg5[%add3A_6] : memref<1605632xi32, #tpu.memory_space<hbm>> -> memref<112xi32, #tpu.memory_space<hbm>>
      tpu.wait_dma2 semaphore(%run_scoped3A_96 : memref<!tpu.dma_semaphore, #tpu.memory_space<semaphore_mem>>) src(%dma_wait3A_112 : memref<112xi32, #tpu.memory_space<hbm>>) dst(%dma_wait3A_111 : memref<112xi32, #tpu.memory_space<vmem>>)
      tpu.yield
    }) : () -> ()
    %dma_start3A = arith.constant 0 : i32
    %dma_start3A_8 = arith.constant 0 : i32
    %dma_start3A_9 = arith.constant 0 : i32
    %dma_start3A_10 = arith.constant 0 : i32
    %dma_start3A_11 = tpu.memref_slice %arg9[%dma_start3A_8, %dma_start3A_9, %dma_start3A_10] : memref<2x112x128xf32, #tpu.memory_space<vmem>> -> memref<1x112x128xf32, #tpu.memory_space<vmem>>
    %dma_start3A_12 = tpu.memref_squeeze %dma_start3A_11 : memref<1x112x128xf32, #tpu.memory_space<vmem>> -> memref<112x128xf32, #tpu.memory_space<vmem>>
    %dma_start3A_13 = arith.constant 0 : i32
    %dma_start3A_14 = tpu.memref_slice %arg7[%dma_start3A, %dma_start3A_13] : memref<2x112xi32, #tpu.memory_space<vmem>> -> memref<1x112xi32, #tpu.memory_space<vmem>>
    %dma_start3A_15 = tpu.memref_squeeze %dma_start3A_14 : memref<1x112xi32, #tpu.memory_space<vmem>> -> memref<112xi32, #tpu.memory_space<vmem>>
    %dma_start3A_16 = arith.constant 0 : i32
    %dma_start3A_17 = arith.constant 0 : i32
    %dma_start3A_18 = tpu.memref_slice %arg2[%dma_start3A_16, %dma_start3A_17] : memref<100352x128xf32, #tpu.memory_space<hbm>> -> memref<100352x128xf32, #tpu.memory_space<hbm>>
    tpu.enqueue_indirect_dma source(%dma_start3A_18 : memref<100352x128xf32, #tpu.memory_space<hbm>>) target(%dma_start3A_12 : memref<112x128xf32, #tpu.memory_space<vmem>>) offsets(%dma_start3A_15 : memref<112xi32, #tpu.memory_space<vmem>>) semaphore(%arg12 : memref<!tpu.dma_semaphore, #tpu.memory_space<semaphore_mem>>)
    %dma_start3A_19 = arith.constant 0 : i32
    %dma_start3A_20 = arith.constant 0 : i32
    %dma_start3A_21 = arith.constant 0 : i32
    %dma_start3A_22 = arith.constant 0 : i32
    %dma_start3A_23 = tpu.memref_slice %arg10[%dma_start3A_20, %dma_start3A_21, %dma_start3A_22] : memref<2x112x128xf32, #tpu.memory_space<vmem>> -> memref<1x112x128xf32, #tpu.memory_space<vmem>>
    %dma_start3A_24 = tpu.memref_squeeze %dma_start3A_23 : memref<1x112x128xf32, #tpu.memory_space<vmem>> -> memref<112x128xf32, #tpu.memory_space<vmem>>
    %dma_start3A_25 = arith.constant 0 : i32
    %dma_start3A_26 = tpu.memref_slice %arg8[%dma_start3A_19, %dma_start3A_25] : memref<2x112xi32, #tpu.memory_space<vmem>> -> memref<1x112xi32, #tpu.memory_space<vmem>>
    %dma_start3A_27 = tpu.memref_squeeze %dma_start3A_26 : memref<1x112xi32, #tpu.memory_space<vmem>> -> memref<112xi32, #tpu.memory_space<vmem>>
    %dma_start3A_28 = arith.constant 0 : i32
    %dma_start3A_29 = arith.constant 0 : i32
    %dma_start3A_30 = tpu.memref_slice %arg3[%dma_start3A_28, %dma_start3A_29] : memref<100352x128xf32, #tpu.memory_space<hbm>> -> memref<100352x128xf32, #tpu.memory_space<hbm>>
    tpu.enqueue_indirect_dma source(%dma_start3A_30 : memref<100352x128xf32, #tpu.memory_space<hbm>>) target(%dma_start3A_24 : memref<112x128xf32, #tpu.memory_space<vmem>>) offsets(%dma_start3A_27 : memref<112xi32, #tpu.memory_space<vmem>>) semaphore(%arg14 : memref<!tpu.dma_semaphore, #tpu.memory_space<semaphore_mem>>)
    %add3A_31 = arith.constant 112 : i32
    %add3A_32 = arith.addi %mul3A_2, %add3A_31 : i32
    %run_scoped3A_33 = arith.constant 1 : i32
    "tpu.region"() ({
      %run_scoped3A_96 = tpu.sem_alloc : memref<!tpu.dma_semaphore, #tpu.memory_space<semaphore_mem>>
      %dma_start3A_97 = arith.constant 0 : i32
      %dma_start3A_98 = tpu.memref_slice %arg7[%run_scoped3A_33, %dma_start3A_97] : memref<2x112xi32, #tpu.memory_space<vmem>> -> memref<1x112xi32, #tpu.memory_space<vmem>>
      %dma_start3A_99 = tpu.memref_squeeze %dma_start3A_98 : memref<1x112xi32, #tpu.memory_space<vmem>> -> memref<112xi32, #tpu.memory_space<vmem>>
      %dma_start3A_100 = tpu.memref_slice %arg4[%add3A_32] : memref<1605632xi32, #tpu.memory_space<hbm>> -> memref<112xi32, #tpu.memory_space<hbm>>
      %dma_start3A_101 = arith.constant 0 : i32
      %dma_start3A_102 = tpu.memref_slice %arg7[%run_scoped3A_33, %dma_start3A_101] : memref<2x112xi32, #tpu.memory_space<vmem>> -> memref<1x112xi32, #tpu.memory_space<vmem>>
      %dma_start3A_103 = tpu.memref_squeeze %dma_start3A_102 : memref<1x112xi32, #tpu.memory_space<vmem>> -> memref<112xi32, #tpu.memory_space<vmem>>
      %dma_start3A_104 = tpu.memref_slice %arg4[%add3A_32] : memref<1605632xi32, #tpu.memory_space<hbm>> -> memref<112xi32, #tpu.memory_space<hbm>>
      tpu.enqueue_dma source(%dma_start3A_104 : memref<112xi32, #tpu.memory_space<hbm>>) target(%dma_start3A_103 : memref<112xi32, #tpu.memory_space<vmem>>) target_semaphore(%run_scoped3A_96 : memref<!tpu.dma_semaphore, #tpu.memory_space<semaphore_mem>>)
      %dma_wait3A_105 = arith.constant 0 : i32
      %dma_wait3A_106 = tpu.memref_slice %arg7[%run_scoped3A_33, %dma_wait3A_105] : memref<2x112xi32, #tpu.memory_space<vmem>> -> memref<1x112xi32, #tpu.memory_space<vmem>>
      %dma_wait3A_107 = tpu.memref_squeeze %dma_wait3A_106 : memref<1x112xi32, #tpu.memory_space<vmem>> -> memref<112xi32, #tpu.memory_space<vmem>>
      %dma_wait3A_108 = tpu.memref_slice %arg4[%add3A_32] : memref<1605632xi32, #tpu.memory_space<hbm>> -> memref<112xi32, #tpu.memory_space<hbm>>
      %dma_wait3A_109 = arith.constant 0 : i32
      %dma_wait3A_110 = tpu.memref_slice %arg7[%run_scoped3A_33, %dma_wait3A_109] : memref<2x112xi32, #tpu.memory_space<vmem>> -> memref<1x112xi32, #tpu.memory_space<vmem>>
      %dma_wait3A_111 = tpu.memref_squeeze %dma_wait3A_110 : memref<1x112xi32, #tpu.memory_space<vmem>> -> memref<112xi32, #tpu.memory_space<vmem>>
      %dma_wait3A_112 = tpu.memref_slice %arg4[%add3A_32] : memref<1605632xi32, #tpu.memory_space<hbm>> -> memref<112xi32, #tpu.memory_space<hbm>>
      tpu.wait_dma2 semaphore(%run_scoped3A_96 : memref<!tpu.dma_semaphore, #tpu.memory_space<semaphore_mem>>) src(%dma_wait3A_112 : memref<112xi32, #tpu.memory_space<hbm>>) dst(%dma_wait3A_111 : memref<112xi32, #tpu.memory_space<vmem>>)
      tpu.yield
    }) : () -> ()
    %add3A_34 = arith.constant 112 : i32
    %add3A_35 = arith.addi %mul3A_2, %add3A_34 : i32
    %run_scoped3A_36 = arith.constant 1 : i32
    "tpu.region"() ({
      %run_scoped3A_96 = tpu.sem_alloc : memref<!tpu.dma_semaphore, #tpu.memory_space<semaphore_mem>>
      %dma_start3A_97 = arith.constant 0 : i32
      %dma_start3A_98 = tpu.memref_slice %arg8[%run_scoped3A_36, %dma_start3A_97] : memref<2x112xi32, #tpu.memory_space<vmem>> -> memref<1x112xi32, #tpu.memory_space<vmem>>
      %dma_start3A_99 = tpu.memref_squeeze %dma_start3A_98 : memref<1x112xi32, #tpu.memory_space<vmem>> -> memref<112xi32, #tpu.memory_space<vmem>>
      %dma_start3A_100 = tpu.memref_slice %arg5[%add3A_35] : memref<1605632xi32, #tpu.memory_space<hbm>> -> memref<112xi32, #tpu.memory_space<hbm>>
      %dma_start3A_101 = arith.constant 0 : i32
      %dma_start3A_102 = tpu.memref_slice %arg8[%run_scoped3A_36, %dma_start3A_101] : memref<2x112xi32, #tpu.memory_space<vmem>> -> memref<1x112xi32, #tpu.memory_space<vmem>>
      %dma_start3A_103 = tpu.memref_squeeze %dma_start3A_102 : memref<1x112xi32, #tpu.memory_space<vmem>> -> memref<112xi32, #tpu.memory_space<vmem>>
      %dma_start3A_104 = tpu.memref_slice %arg5[%add3A_35] : memref<1605632xi32, #tpu.memory_space<hbm>> -> memref<112xi32, #tpu.memory_space<hbm>>
      tpu.enqueue_dma source(%dma_start3A_104 : memref<112xi32, #tpu.memory_space<hbm>>) target(%dma_start3A_103 : memref<112xi32, #tpu.memory_space<vmem>>) target_semaphore(%run_scoped3A_96 : memref<!tpu.dma_semaphore, #tpu.memory_space<semaphore_mem>>)
      %dma_wait3A_105 = arith.constant 0 : i32
      %dma_wait3A_106 = tpu.memref_slice %arg8[%run_scoped3A_36, %dma_wait3A_105] : memref<2x112xi32, #tpu.memory_space<vmem>> -> memref<1x112xi32, #tpu.memory_space<vmem>>
      %dma_wait3A_107 = tpu.memref_squeeze %dma_wait3A_106 : memref<1x112xi32, #tpu.memory_space<vmem>> -> memref<112xi32, #tpu.memory_space<vmem>>
      %dma_wait3A_108 = tpu.memref_slice %arg5[%add3A_35] : memref<1605632xi32, #tpu.memory_space<hbm>> -> memref<112xi32, #tpu.memory_space<hbm>>
      %dma_wait3A_109 = arith.constant 0 : i32
      %dma_wait3A_110 = tpu.memref_slice %arg8[%run_scoped3A_36, %dma_wait3A_109] : memref<2x112xi32, #tpu.memory_space<vmem>> -> memref<1x112xi32, #tpu.memory_space<vmem>>
      %dma_wait3A_111 = tpu.memref_squeeze %dma_wait3A_110 : memref<1x112xi32, #tpu.memory_space<vmem>> -> memref<112xi32, #tpu.memory_space<vmem>>
      %dma_wait3A_112 = tpu.memref_slice %arg5[%add3A_35] : memref<1605632xi32, #tpu.memory_space<hbm>> -> memref<112xi32, #tpu.memory_space<hbm>>
      tpu.wait_dma2 semaphore(%run_scoped3A_96 : memref<!tpu.dma_semaphore, #tpu.memory_space<semaphore_mem>>) src(%dma_wait3A_112 : memref<112xi32, #tpu.memory_space<hbm>>) dst(%dma_wait3A_111 : memref<112xi32, #tpu.memory_space<vmem>>)
      tpu.yield
    }) : () -> ()
    %dma_start3A_37 = arith.constant 1 : i32
    %dma_start3A_38 = arith.constant 1 : i32
    %dma_start3A_39 = arith.constant 0 : i32
    %dma_start3A_40 = arith.constant 0 : i32
    %dma_start3A_41 = tpu.memref_slice %arg9[%dma_start3A_38, %dma_start3A_39, %dma_start3A_40] : memref<2x112x128xf32, #tpu.memory_space<vmem>> -> memref<1x112x128xf32, #tpu.memory_space<vmem>>
    %dma_start3A_42 = tpu.memref_squeeze %dma_start3A_41 : memref<1x112x128xf32, #tpu.memory_space<vmem>> -> memref<112x128xf32, #tpu.memory_space<vmem>>
    %dma_start3A_43 = arith.constant 0 : i32
    %dma_start3A_44 = tpu.memref_slice %arg7[%dma_start3A_37, %dma_start3A_43] : memref<2x112xi32, #tpu.memory_space<vmem>> -> memref<1x112xi32, #tpu.memory_space<vmem>>
    %dma_start3A_45 = tpu.memref_squeeze %dma_start3A_44 : memref<1x112xi32, #tpu.memory_space<vmem>> -> memref<112xi32, #tpu.memory_space<vmem>>
    %dma_start3A_46 = arith.constant 0 : i32
    %dma_start3A_47 = arith.constant 0 : i32
    %dma_start3A_48 = tpu.memref_slice %arg2[%dma_start3A_46, %dma_start3A_47] : memref<100352x128xf32, #tpu.memory_space<hbm>> -> memref<100352x128xf32, #tpu.memory_space<hbm>>
    tpu.enqueue_indirect_dma source(%dma_start3A_48 : memref<100352x128xf32, #tpu.memory_space<hbm>>) target(%dma_start3A_42 : memref<112x128xf32, #tpu.memory_space<vmem>>) offsets(%dma_start3A_45 : memref<112xi32, #tpu.memory_space<vmem>>) semaphore(%arg13 : memref<!tpu.dma_semaphore, #tpu.memory_space<semaphore_mem>>)
    %dma_start3A_49 = arith.constant 1 : i32
    %dma_start3A_50 = arith.constant 1 : i32
    %dma_start3A_51 = arith.constant 0 : i32
    %dma_start3A_52 = arith.constant 0 : i32
    %dma_start3A_53 = tpu.memref_slice %arg10[%dma_start3A_50, %dma_start3A_51, %dma_start3A_52] : memref<2x112x128xf32, #tpu.memory_space<vmem>> -> memref<1x112x128xf32, #tpu.memory_space<vmem>>
    %dma_start3A_54 = tpu.memref_squeeze %dma_start3A_53 : memref<1x112x128xf32, #tpu.memory_space<vmem>> -> memref<112x128xf32, #tpu.memory_space<vmem>>
    %dma_start3A_55 = arith.constant 0 : i32
    %dma_start3A_56 = tpu.memref_slice %arg8[%dma_start3A_49, %dma_start3A_55] : memref<2x112xi32, #tpu.memory_space<vmem>> -> memref<1x112xi32, #tpu.memory_space<vmem>>
    %dma_start3A_57 = tpu.memref_squeeze %dma_start3A_56 : memref<1x112xi32, #tpu.memory_space<vmem>> -> memref<112xi32, #tpu.memory_space<vmem>>
    %dma_start3A_58 = arith.constant 0 : i32
    %dma_start3A_59 = arith.constant 0 : i32
    %dma_start3A_60 = tpu.memref_slice %arg3[%dma_start3A_58, %dma_start3A_59] : memref<100352x128xf32, #tpu.memory_space<hbm>> -> memref<100352x128xf32, #tpu.memory_space<hbm>>
    tpu.enqueue_indirect_dma source(%dma_start3A_60 : memref<100352x128xf32, #tpu.memory_space<hbm>>) target(%dma_start3A_54 : memref<112x128xf32, #tpu.memory_space<vmem>>) offsets(%dma_start3A_57 : memref<112xi32, #tpu.memory_space<vmem>>) semaphore(%arg15 : memref<!tpu.dma_semaphore, #tpu.memory_space<semaphore_mem>>)
    %scan3A = arith.constant 0 : i32
    %scan3A_61 = arith.constant 0 : i32
    %scan3A_62 = arith.constant 224 : i32
    %scan3A_63 = arith.addi %scan3A_61, %scan3A_62 : i32
    %scan3A_64 = arith.constant 1 : i32
    %scan3A_65 = scf.for %scan3A_96 = %scan3A_61 to %scan3A_63 step %scan3A_64 iter_args(%scan3A_97 = %scan3A) -> (i32)  : i32 {
      %mul3A_98 = arith.constant 2 : i32
      %mul3A_99 = arith.muli %scan3A_96, %mul3A_98 : i32
      %add3A_100 = arith.constant 0 : i32
      %add3A_101 = arith.addi %mul3A_99, %add3A_100 : i32
      %dma_wait3A_102 = arith.constant 0 : i32
      %dma_wait3A_103 = arith.constant 0 : i32
      %dma_wait3A_104 = arith.constant 0 : i32
      %dma_wait3A_105 = arith.constant 0 : i32
      %dma_wait3A_106 = tpu.memref_slice %arg9[%dma_wait3A_103, %dma_wait3A_104, %dma_wait3A_105] : memref<2x112x128xf32, #tpu.memory_space<vmem>> -> memref<1x112x128xf32, #tpu.memory_space<vmem>>
      %dma_wait3A_107 = tpu.memref_squeeze %dma_wait3A_106 : memref<1x112x128xf32, #tpu.memory_space<vmem>> -> memref<112x128xf32, #tpu.memory_space<vmem>>
      %dma_wait3A_108 = arith.constant 0 : i32
      %dma_wait3A_109 = tpu.memref_slice %arg7[%dma_wait3A_102, %dma_wait3A_108] : memref<2x112xi32, #tpu.memory_space<vmem>> -> memref<1x112xi32, #tpu.memory_space<vmem>>
      %dma_wait3A_110 = tpu.memref_squeeze %dma_wait3A_109 : memref<1x112xi32, #tpu.memory_space<vmem>> -> memref<112xi32, #tpu.memory_space<vmem>>
      %dma_wait3A_111 = arith.constant 0 : i32
      %dma_wait3A_112 = arith.constant 0 : i32
      %dma_wait3A_113 = tpu.memref_slice %arg2[%dma_wait3A_111, %dma_wait3A_112] : memref<100352x128xf32, #tpu.memory_space<hbm>> -> memref<100352x128xf32, #tpu.memory_space<hbm>>
      tpu.wait_indirect_dma semaphore(%arg12 : memref<!tpu.dma_semaphore, #tpu.memory_space<semaphore_mem>>) src(%dma_wait3A_113 : memref<100352x128xf32, #tpu.memory_space<hbm>>) dst(%dma_wait3A_107 : memref<112x128xf32, #tpu.memory_space<vmem>>)
      %dma_wait3A_114 = arith.constant 0 : i32
      %dma_wait3A_115 = arith.constant 0 : i32
      %dma_wait3A_116 = arith.constant 0 : i32
      %dma_wait3A_117 = arith.constant 0 : i32
      %dma_wait3A_118 = tpu.memref_slice %arg10[%dma_wait3A_115, %dma_wait3A_116, %dma_wait3A_117] : memref<2x112x128xf32, #tpu.memory_space<vmem>> -> memref<1x112x128xf32, #tpu.memory_space<vmem>>
      %dma_wait3A_119 = tpu.memref_squeeze %dma_wait3A_118 : memref<1x112x128xf32, #tpu.memory_space<vmem>> -> memref<112x128xf32, #tpu.memory_space<vmem>>
      %dma_wait3A_120 = arith.constant 0 : i32
      %dma_wait3A_121 = tpu.memref_slice %arg8[%dma_wait3A_114, %dma_wait3A_120] : memref<2x112xi32, #tpu.memory_space<vmem>> -> memref<1x112xi32, #tpu.memory_space<vmem>>
      %dma_wait3A_122 = tpu.memref_squeeze %dma_wait3A_121 : memref<1x112xi32, #tpu.memory_space<vmem>> -> memref<112xi32, #tpu.memory_space<vmem>>
      %dma_wait3A_123 = arith.constant 0 : i32
      %dma_wait3A_124 = arith.constant 0 : i32
      %dma_wait3A_125 = tpu.memref_slice %arg3[%dma_wait3A_123, %dma_wait3A_124] : memref<100352x128xf32, #tpu.memory_space<hbm>> -> memref<100352x128xf32, #tpu.memory_space<hbm>>
      tpu.wait_indirect_dma semaphore(%arg14 : memref<!tpu.dma_semaphore, #tpu.memory_space<semaphore_mem>>) src(%dma_wait3A_125 : memref<100352x128xf32, #tpu.memory_space<hbm>>) dst(%dma_wait3A_119 : memref<112x128xf32, #tpu.memory_space<vmem>>)
      %ge3A = arith.constant 2 : i32
      %ge3A_126 = arith.cmpi sge, %add3A_101, %ge3A : i32
      %convert_element_type3A = arith.extui %ge3A_126 : i1 to i32
      %cond3A = arith.constant 0 : i32
      %cond3A_127 = arith.cmpi ne, %convert_element_type3A, %cond3A : i32
      scf.if %cond3A_127 {
        %sub3A = arith.constant 2 : i32
        %sub3A_221 = arith.subi %add3A_101, %sub3A : i32
        %mul3A_222 = arith.constant 112 : i32
        %mul3A_223 = arith.muli %sub3A_221, %mul3A_222 : i32
        %add3A_224 = arith.addi %mul3A_2, %mul3A_223 : i32
        %dma_wait3A_225 = arith.constant 0 : i32
        %dma_wait3A_226 = arith.constant 0 : i32
        %dma_wait3A_227 = arith.constant 0 : i32
        %dma_wait3A_228 = tpu.memref_slice %arg11[%dma_wait3A_225, %dma_wait3A_226, %dma_wait3A_227] : memref<2x112x128xf32, #tpu.memory_space<vmem>> -> memref<1x112x128xf32, #tpu.memory_space<vmem>>
        %dma_wait3A_229 = tpu.memref_squeeze %dma_wait3A_228 : memref<1x112x128xf32, #tpu.memory_space<vmem>> -> memref<112x128xf32, #tpu.memory_space<vmem>>
        %dma_wait3A_230 = arith.constant 0 : i32
        %dma_wait3A_231 = tpu.memref_slice %arg6[%add3A_224, %dma_wait3A_230] : memref<1605632x128xf32, #tpu.memory_space<hbm>> -> memref<112x128xf32, #tpu.memory_space<hbm>>
        %dma_wait3A_232 = arith.constant 0 : i32
        %dma_wait3A_233 = tpu.memref_slice %arg6[%add3A_224, %dma_wait3A_232] : memref<1605632x128xf32, #tpu.memory_space<hbm>> -> memref<112x128xf32, #tpu.memory_space<hbm>>
        %dma_wait3A_234 = arith.constant 0 : i32
        %dma_wait3A_235 = arith.constant 0 : i32
        %dma_wait3A_236 = tpu.memref_slice %arg11[%dma_wait3A_225, %dma_wait3A_234, %dma_wait3A_235] : memref<2x112x128xf32, #tpu.memory_space<vmem>> -> memref<1x112x128xf32, #tpu.memory_space<vmem>>
        %dma_wait3A_237 = tpu.memref_squeeze %dma_wait3A_236 : memref<1x112x128xf32, #tpu.memory_space<vmem>> -> memref<112x128xf32, #tpu.memory_space<vmem>>
        tpu.wait_dma2 semaphore(%arg16 : memref<!tpu.dma_semaphore, #tpu.memory_space<semaphore_mem>>) src(%dma_wait3A_237 : memref<112x128xf32, #tpu.memory_space<vmem>>) dst(%dma_wait3A_233 : memref<112x128xf32, #tpu.memory_space<hbm>>)
      } else {
      }
      %scan3A_128 = arith.constant 0 : i32
      %scan3A_129 = arith.constant 0 : i32
      %scan3A_130 = arith.constant 112 : i32
      %scan3A_131 = arith.addi %scan3A_129, %scan3A_130 : i32
      %scan3A_132 = arith.constant 1 : i32
      %scan3A_133 = scf.for %scan3A_221 = %scan3A_129 to %scan3A_131 step %scan3A_132 iter_args(%scan3A_222 = %scan3A_128) -> (i32)  : i32 {
        %get3A = arith.constant 0 : i32
        %get3A_223 = arith.index_cast %get3A : i32 to index
        %get3A_224 = arith.index_cast %scan3A_221 : i32 to index
        %get3A_225 = arith.constant 0 : index
        %get3A_226 = tpu.vector_load %arg9[%get3A_223, %get3A_224, %get3A_225] {strides = array<i32>} : memref<2x112x128xf32, #tpu.memory_space<vmem>>, vector<1x1x16xf32>,
        %get3A_227 = vector.shape_cast %get3A_226 : vector<1x1x16xf32> to vector<16xf32>
        %get3A_228 = arith.constant 0 : i32
        %get3A_229 = arith.index_cast %get3A_228 : i32 to index
        %get3A_230 = arith.index_cast %scan3A_221 : i32 to index
        %get3A_231 = arith.constant 0 : index
        %get3A_232 = tpu.vector_load %arg10[%get3A_229, %get3A_230, %get3A_231] {strides = array<i32>} : memref<2x112x128xf32, #tpu.memory_space<vmem>>, vector<1x1x16xf32>,
        %get3A_233 = vector.shape_cast %get3A_232 : vector<1x1x16xf32> to vector<16xf32>
        %add3A_234 = arith.addf %get3A_227, %get3A_233 : vector<16xf32>
        %swap3A = arith.constant 0 : i32
        %swap3A_235 = arith.index_cast %swap3A : i32 to index
        %swap3A_236 = arith.index_cast %scan3A_221 : i32 to index
        %swap3A_237 = arith.constant 0 : index
        %swap3A_238 = tpu.vector_load %arg11[%swap3A_235, %swap3A_236, %swap3A_237] {strides = array<i32>} : memref<2x112x128xf32, #tpu.memory_space<vmem>>, vector<1x1x16xf32>,
        %swap3A_239 = vector.shape_cast %swap3A_238 : vector<1x1x16xf32> to vector<16xf32>
        %swap3A_240 = vector.shape_cast %add3A_234 : vector<16xf32> to vector<1x1x16xf32>
        tpu.vector_store %arg11[%swap3A_235, %swap3A_236, %swap3A_237], %swap3A_240 {strides = array<i32>} : memref<2x112x128xf32, #tpu.memory_space<vmem>>, vector<1x1x16xf32>,
        %get3A_241 = arith.constant 0 : i32
        %get3A_242 = arith.index_cast %get3A_241 : i32 to index
        %get3A_243 = arith.index_cast %scan3A_221 : i32 to index
        %get3A_244 = arith.constant 16 : index
        %get3A_245 = tpu.vector_load %arg9[%get3A_242, %get3A_243, %get3A_244] {strides = array<i32>} : memref<2x112x128xf32, #tpu.memory_space<vmem>>, vector<1x1x16xf32>,
        %get3A_246 = vector.shape_cast %get3A_245 : vector<1x1x16xf32> to vector<16xf32>
        %get3A_247 = arith.constant 0 : i32
        %get3A_248 = arith.index_cast %get3A_247 : i32 to index
        %get3A_249 = arith.index_cast %scan3A_221 : i32 to index
        %get3A_250 = arith.constant 16 : index
        %get3A_251 = tpu.vector_load %arg10[%get3A_248, %get3A_249, %get3A_250] {strides = array<i32>} : memref<2x112x128xf32, #tpu.memory_space<vmem>>, vector<1x1x16xf32>,
        %get3A_252 = vector.shape_cast %get3A_251 : vector<1x1x16xf32> to vector<16xf32>
        %add3A_253 = arith.addf %get3A_246, %get3A_252 : vector<16xf32>
        %swap3A_254 = arith.constant 0 : i32
        %swap3A_255 = arith.index_cast %swap3A_254 : i32 to index
        %swap3A_256 = arith.index_cast %scan3A_221 : i32 to index
        %swap3A_257 = arith.constant 16 : index
        %swap3A_258 = tpu.vector_load %arg11[%swap3A_255, %swap3A_256, %swap3A_257] {strides = array<i32>} : memref<2x112x128xf32, #tpu.memory_space<vmem>>, vector<1x1x16xf32>,
        %swap3A_259 = vector.shape_cast %swap3A_258 : vector<1x1x16xf32> to vector<16xf32>
        %swap3A_260 = vector.shape_cast %add3A_253 : vector<16xf32> to vector<1x1x16xf32>
        tpu.vector_store %arg11[%swap3A_255, %swap3A_256, %swap3A_257], %swap3A_260 {strides = array<i32>} : memref<2x112x128xf32, #tpu.memory_space<vmem>>, vector<1x1x16xf32>,
        %get3A_261 = arith.constant 0 : i32
        %get3A_262 = arith.index_cast %get3A_261 : i32 to index
        %get3A_263 = arith.index_cast %scan3A_221 : i32 to index
        %get3A_264 = arith.constant 32 : index
        %get3A_265 = tpu.vector_load %arg9[%get3A_262, %get3A_263, %get3A_264] {strides = array<i32>} : memref<2x112x128xf32, #tpu.memory_space<vmem>>, vector<1x1x16xf32>,
        %get3A_266 = vector.shape_cast %get3A_265 : vector<1x1x16xf32> to vector<16xf32>
        %get3A_267 = arith.constant 0 : i32
        %get3A_268 = arith.index_cast %get3A_267 : i32 to index
        %get3A_269 = arith.index_cast %scan3A_221 : i32 to index
        %get3A_270 = arith.constant 32 : index
        %get3A_271 = tpu.vector_load %arg10[%get3A_268, %get3A_269, %get3A_270] {strides = array<i32>} : memref<2x112x128xf32, #tpu.memory_space<vmem>>, vector<1x1x16xf32>,
        %get3A_272 = vector.shape_cast %get3A_271 : vector<1x1x16xf32> to vector<16xf32>
        %add3A_273 = arith.addf %get3A_266, %get3A_272 : vector<16xf32>
        %swap3A_274 = arith.constant 0 : i32
        %swap3A_275 = arith.index_cast %swap3A_274 : i32 to index
        %swap3A_276 = arith.index_cast %scan3A_221 : i32 to index
        %swap3A_277 = arith.constant 32 : index
        %swap3A_278 = tpu.vector_load %arg11[%swap3A_275, %swap3A_276, %swap3A_277] {strides = array<i32>} : memref<2x112x128xf32, #tpu.memory_space<vmem>>, vector<1x1x16xf32>,
        %swap3A_279 = vector.shape_cast %swap3A_278 : vector<1x1x16xf32> to vector<16xf32>
        %swap3A_280 = vector.shape_cast %add3A_273 : vector<16xf32> to vector<1x1x16xf32>
        tpu.vector_store %arg11[%swap3A_275, %swap3A_276, %swap3A_277], %swap3A_280 {strides = array<i32>} : memref<2x112x128xf32, #tpu.memory_space<vmem>>, vector<1x1x16xf32>,
        %get3A_281 = arith.constant 0 : i32
        %get3A_282 = arith.index_cast %get3A_281 : i32 to index
        %get3A_283 = arith.index_cast %scan3A_221 : i32 to index
        %get3A_284 = arith.constant 48 : index
        %get3A_285 = tpu.vector_load %arg9[%get3A_282, %get3A_283, %get3A_284] {strides = array<i32>} : memref<2x112x128xf32, #tpu.memory_space<vmem>>, vector<1x1x16xf32>,
        %get3A_286 = vector.shape_cast %get3A_285 : vector<1x1x16xf32> to vector<16xf32>
        %get3A_287 = arith.constant 0 : i32
        %get3A_288 = arith.index_cast %get3A_287 : i32 to index
        %get3A_289 = arith.index_cast %scan3A_221 : i32 to index
        %get3A_290 = arith.constant 48 : index
        %get3A_291 = tpu.vector_load %arg10[%get3A_288, %get3A_289, %get3A_290] {strides = array<i32>} : memref<2x112x128xf32, #tpu.memory_space<vmem>>, vector<1x1x16xf32>,
        %get3A_292 = vector.shape_cast %get3A_291 : vector<1x1x16xf32> to vector<16xf32>
        %add3A_293 = arith.addf %get3A_286, %get3A_292 : vector<16xf32>
        %swap3A_294 = arith.constant 0 : i32
        %swap3A_295 = arith.index_cast %swap3A_294 : i32 to index
        %swap3A_296 = arith.index_cast %scan3A_221 : i32 to index
        %swap3A_297 = arith.constant 48 : index
        %swap3A_298 = tpu.vector_load %arg11[%swap3A_295, %swap3A_296, %swap3A_297] {strides = array<i32>} : memref<2x112x128xf32, #tpu.memory_space<vmem>>, vector<1x1x16xf32>,
        %swap3A_299 = vector.shape_cast %swap3A_298 : vector<1x1x16xf32> to vector<16xf32>
        %swap3A_300 = vector.shape_cast %add3A_293 : vector<16xf32> to vector<1x1x16xf32>
        tpu.vector_store %arg11[%swap3A_295, %swap3A_296, %swap3A_297], %swap3A_300 {strides = array<i32>} : memref<2x112x128xf32, #tpu.memory_space<vmem>>, vector<1x1x16xf32>,
        %get3A_301 = arith.constant 0 : i32
        %get3A_302 = arith.index_cast %get3A_301 : i32 to index
        %get3A_303 = arith.index_cast %scan3A_221 : i32 to index
        %get3A_304 = arith.constant 64 : index
        %get3A_305 = tpu.vector_load %arg9[%get3A_302, %get3A_303, %get3A_304] {strides = array<i32>} : memref<2x112x128xf32, #tpu.memory_space<vmem>>, vector<1x1x16xf32>,
        %get3A_306 = vector.shape_cast %get3A_305 : vector<1x1x16xf32> to vector<16xf32>
        %get3A_307 = arith.constant 0 : i32
        %get3A_308 = arith.index_cast %get3A_307 : i32 to index
        %get3A_309 = arith.index_cast %scan3A_221 : i32 to index
        %get3A_310 = arith.constant 64 : index
        %get3A_311 = tpu.vector_load %arg10[%get3A_308, %get3A_309, %get3A_310] {strides = array<i32>} : memref<2x112x128xf32, #tpu.memory_space<vmem>>, vector<1x1x16xf32>,
        %get3A_312 = vector.shape_cast %get3A_311 : vector<1x1x16xf32> to vector<16xf32>
        %add3A_313 = arith.addf %get3A_306, %get3A_312 : vector<16xf32>
        %swap3A_314 = arith.constant 0 : i32
        %swap3A_315 = arith.index_cast %swap3A_314 : i32 to index
        %swap3A_316 = arith.index_cast %scan3A_221 : i32 to index
        %swap3A_317 = arith.constant 64 : index
        %swap3A_318 = tpu.vector_load %arg11[%swap3A_315, %swap3A_316, %swap3A_317] {strides = array<i32>} : memref<2x112x128xf32, #tpu.memory_space<vmem>>, vector<1x1x16xf32>,
        %swap3A_319 = vector.shape_cast %swap3A_318 : vector<1x1x16xf32> to vector<16xf32>
        %swap3A_320 = vector.shape_cast %add3A_313 : vector<16xf32> to vector<1x1x16xf32>
        tpu.vector_store %arg11[%swap3A_315, %swap3A_316, %swap3A_317], %swap3A_320 {strides = array<i32>} : memref<2x112x128xf32, #tpu.memory_space<vmem>>, vector<1x1x16xf32>,
        %get3A_321 = arith.constant 0 : i32
        %get3A_322 = arith.index_cast %get3A_321 : i32 to index
        %get3A_323 = arith.index_cast %scan3A_221 : i32 to index
        %get3A_324 = arith.constant 80 : index
        %get3A_325 = tpu.vector_load %arg9[%get3A_322, %get3A_323, %get3A_324] {strides = array<i32>} : memref<2x112x128xf32, #tpu.memory_space<vmem>>, vector<1x1x16xf32>,
        %get3A_326 = vector.shape_cast %get3A_325 : vector<1x1x16xf32> to vector<16xf32>
        %get3A_327 = arith.constant 0 : i32
        %get3A_328 = arith.index_cast %get3A_327 : i32 to index
        %get3A_329 = arith.index_cast %scan3A_221 : i32 to index
        %get3A_330 = arith.constant 80 : index
        %get3A_331 = tpu.vector_load %arg10[%get3A_328, %get3A_329, %get3A_330] {strides = array<i32>} : memref<2x112x128xf32, #tpu.memory_space<vmem>>, vector<1x1x16xf32>,
        %get3A_332 = vector.shape_cast %get3A_331 : vector<1x1x16xf32> to vector<16xf32>
        %add3A_333 = arith.addf %get3A_326, %get3A_332 : vector<16xf32>
        %swap3A_334 = arith.constant 0 : i32
        %swap3A_335 = arith.index_cast %swap3A_334 : i32 to index
        %swap3A_336 = arith.index_cast %scan3A_221 : i32 to index
        %swap3A_337 = arith.constant 80 : index
        %swap3A_338 = tpu.vector_load %arg11[%swap3A_335, %swap3A_336, %swap3A_337] {strides = array<i32>} : memref<2x112x128xf32, #tpu.memory_space<vmem>>, vector<1x1x16xf32>,
        %swap3A_339 = vector.shape_cast %swap3A_338 : vector<1x1x16xf32> to vector<16xf32>
        %swap3A_340 = vector.shape_cast %add3A_333 : vector<16xf32> to vector<1x1x16xf32>
        tpu.vector_store %arg11[%swap3A_335, %swap3A_336, %swap3A_337], %swap3A_340 {strides = array<i32>} : memref<2x112x128xf32, #tpu.memory_space<vmem>>, vector<1x1x16xf32>,
        %get3A_341 = arith.constant 0 : i32
        %get3A_342 = arith.index_cast %get3A_341 : i32 to index
        %get3A_343 = arith.index_cast %scan3A_221 : i32 to index
        %get3A_344 = arith.constant 96 : index
        %get3A_345 = tpu.vector_load %arg9[%get3A_342, %get3A_343, %get3A_344] {strides = array<i32>} : memref<2x112x128xf32, #tpu.memory_space<vmem>>, vector<1x1x16xf32>,
        %get3A_346 = vector.shape_cast %get3A_345 : vector<1x1x16xf32> to vector<16xf32>
        %get3A_347 = arith.constant 0 : i32
        %get3A_348 = arith.index_cast %get3A_347 : i32 to index
        %get3A_349 = arith.index_cast %scan3A_221 : i32 to index
        %get3A_350 = arith.constant 96 : index
        %get3A_351 = tpu.vector_load %arg10[%get3A_348, %get3A_349, %get3A_350] {strides = array<i32>} : memref<2x112x128xf32, #tpu.memory_space<vmem>>, vector<1x1x16xf32>,
        %get3A_352 = vector.shape_cast %get3A_351 : vector<1x1x16xf32> to vector<16xf32>
        %add3A_353 = arith.addf %get3A_346, %get3A_352 : vector<16xf32>
        %swap3A_354 = arith.constant 0 : i32
        %swap3A_355 = arith.index_cast %swap3A_354 : i32 to index
        %swap3A_356 = arith.index_cast %scan3A_221 : i32 to index
        %swap3A_357 = arith.constant 96 : index
        %swap3A_358 = tpu.vector_load %arg11[%swap3A_355, %swap3A_356, %swap3A_357] {strides = array<i32>} : memref<2x112x128xf32, #tpu.memory_space<vmem>>, vector<1x1x16xf32>,
        %swap3A_359 = vector.shape_cast %swap3A_358 : vector<1x1x16xf32> to vector<16xf32>
        %swap3A_360 = vector.shape_cast %add3A_353 : vector<16xf32> to vector<1x1x16xf32>
        tpu.vector_store %arg11[%swap3A_355, %swap3A_356, %swap3A_357], %swap3A_360 {strides = array<i32>} : memref<2x112x128xf32, #tpu.memory_space<vmem>>, vector<1x1x16xf32>,
        %get3A_361 = arith.constant 0 : i32
        %get3A_362 = arith.index_cast %get3A_361 : i32 to index
        %get3A_363 = arith.index_cast %scan3A_221 : i32 to index
        %get3A_364 = arith.constant 112 : index
        %get3A_365 = tpu.vector_load %arg9[%get3A_362, %get3A_363, %get3A_364] {strides = array<i32>} : memref<2x112x128xf32, #tpu.memory_space<vmem>>, vector<1x1x16xf32>,
        %get3A_366 = vector.shape_cast %get3A_365 : vector<1x1x16xf32> to vector<16xf32>
        %get3A_367 = arith.constant 0 : i32
        %get3A_368 = arith.index_cast %get3A_367 : i32 to index
        %get3A_369 = arith.index_cast %scan3A_221 : i32 to index
        %get3A_370 = arith.constant 112 : index
        %get3A_371 = tpu.vector_load %arg10[%get3A_368, %get3A_369, %get3A_370] {strides = array<i32>} : memref<2x112x128xf32, #tpu.memory_space<vmem>>, vector<1x1x16xf32>,
        %get3A_372 = vector.shape_cast %get3A_371 : vector<1x1x16xf32> to vector<16xf32>
        %add3A_373 = arith.addf %get3A_366, %get3A_372 : vector<16xf32>
        %swap3A_374 = arith.constant 0 : i32
        %swap3A_375 = arith.index_cast %swap3A_374 : i32 to index
        %swap3A_376 = arith.index_cast %scan3A_221 : i32 to index
        %swap3A_377 = arith.constant 112 : index
        %swap3A_378 = tpu.vector_load %arg11[%swap3A_375, %swap3A_376, %swap3A_377] {strides = array<i32>} : memref<2x112x128xf32, #tpu.memory_space<vmem>>, vector<1x1x16xf32>,
        %swap3A_379 = vector.shape_cast %swap3A_378 : vector<1x1x16xf32> to vector<16xf32>
        %swap3A_380 = vector.shape_cast %add3A_373 : vector<16xf32> to vector<1x1x16xf32>
        tpu.vector_store %arg11[%swap3A_375, %swap3A_376, %swap3A_377], %swap3A_380 {strides = array<i32>} : memref<2x112x128xf32, #tpu.memory_space<vmem>>, vector<1x1x16xf32>,
        %scan3A_381 = arith.constant 0 : i32
        scf.yield %scan3A_381 : i32
      }
      %scan3A_134 = arith.constant 112 : i32
      %mul3A_135 = arith.constant 112 : i32
      %mul3A_136 = arith.muli %add3A_101, %mul3A_135 : i32
      %add3A_137 = arith.addi %mul3A_2, %mul3A_136 : i32
      %dma_start3A_138 = arith.constant 0 : i32
      %dma_start3A_139 = arith.constant 0 : i32
      %dma_start3A_140 = arith.constant 0 : i32
      %dma_start3A_141 = tpu.memref_slice %arg11[%dma_start3A_138, %dma_start3A_139, %dma_start3A_140] : memref<2x112x128xf32, #tpu.memory_space<vmem>> -> memref<1x112x128xf32, #tpu.memory_space<vmem>>
      %dma_start3A_142 = tpu.memref_squeeze %dma_start3A_141 : memref<1x112x128xf32, #tpu.memory_space<vmem>> -> memref<112x128xf32, #tpu.memory_space<vmem>>
      %dma_start3A_143 = arith.constant 0 : i32
      %dma_start3A_144 = tpu.memref_slice %arg6[%add3A_137, %dma_start3A_143] : memref<1605632x128xf32, #tpu.memory_space<hbm>> -> memref<112x128xf32, #tpu.memory_space<hbm>>
      %dma_start3A_145 = arith.constant 0 : i32
      %dma_start3A_146 = tpu.memref_slice %arg6[%add3A_137, %dma_start3A_145] : memref<1605632x128xf32, #tpu.memory_space<hbm>> -> memref<112x128xf32, #tpu.memory_space<hbm>>
      %dma_start3A_147 = arith.constant 0 : i32
      %dma_start3A_148 = arith.constant 0 : i32
      %dma_start3A_149 = tpu.memref_slice %arg11[%dma_start3A_138, %dma_start3A_147, %dma_start3A_148] : memref<2x112x128xf32, #tpu.memory_space<vmem>> -> memref<1x112x128xf32, #tpu.memory_space<vmem>>
      %dma_start3A_150 = tpu.memref_squeeze %dma_start3A_149 : memref<1x112x128xf32, #tpu.memory_space<vmem>> -> memref<112x128xf32, #tpu.memory_space<vmem>>
      tpu.enqueue_dma source(%dma_start3A_150 : memref<112x128xf32, #tpu.memory_space<vmem>>) target(%dma_start3A_146 : memref<112x128xf32, #tpu.memory_space<hbm>>) target_semaphore(%arg16 : memref<!tpu.dma_semaphore, #tpu.memory_space<semaphore_mem>>)
      %add3A_151 = arith.constant 2 : i32
      %add3A_152 = arith.addi %add3A_101, %add3A_151 : i32
      %lt3A = arith.constant 448 : i32
      %lt3A_153 = arith.cmpi slt, %add3A_152, %lt3A : i32
      %convert_element_type3A_154 = arith.extui %lt3A_153 : i1 to i32
      %cond3A_155 = arith.constant 0 : i32
      %cond3A_156 = arith.cmpi ne, %convert_element_type3A_154, %cond3A_155 : i32
      scf.if %cond3A_156 {
        %add3A_221 = arith.constant 2 : i32
        %add3A_222 = arith.addi %add3A_101, %add3A_221 : i32
        %mul3A_223 = arith.constant 112 : i32
        %mul3A_224 = arith.muli %add3A_222, %mul3A_223 : i32
        %add3A_225 = arith.addi %mul3A_2, %mul3A_224 : i32
        %run_scoped3A_226 = arith.constant 0 : i32
        "tpu.region"() ({
          %run_scoped3A_255 = tpu.sem_alloc : memref<!tpu.dma_semaphore, #tpu.memory_space<semaphore_mem>>
          %dma_start3A_256 = arith.constant 0 : i32
          %dma_start3A_257 = tpu.memref_slice %arg7[%run_scoped3A_226, %dma_start3A_256] : memref<2x112xi32, #tpu.memory_space<vmem>> -> memref<1x112xi32, #tpu.memory_space<vmem>>
          %dma_start3A_258 = tpu.memref_squeeze %dma_start3A_257 : memref<1x112xi32, #tpu.memory_space<vmem>> -> memref<112xi32, #tpu.memory_space<vmem>>
          %dma_start3A_259 = tpu.memref_slice %arg4[%add3A_225] : memref<1605632xi32, #tpu.memory_space<hbm>> -> memref<112xi32, #tpu.memory_space<hbm>>
          %dma_start3A_260 = arith.constant 0 : i32
          %dma_start3A_261 = tpu.memref_slice %arg7[%run_scoped3A_226, %dma_start3A_260] : memref<2x112xi32, #tpu.memory_space<vmem>> -> memref<1x112xi32, #tpu.memory_space<vmem>>
          %dma_start3A_262 = tpu.memref_squeeze %dma_start3A_261 : memref<1x112xi32, #tpu.memory_space<vmem>> -> memref<112xi32, #tpu.memory_space<vmem>>
          %dma_start3A_263 = tpu.memref_slice %arg4[%add3A_225] : memref<1605632xi32, #tpu.memory_space<hbm>> -> memref<112xi32, #tpu.memory_space<hbm>>
          tpu.enqueue_dma source(%dma_start3A_263 : memref<112xi32, #tpu.memory_space<hbm>>) target(%dma_start3A_262 : memref<112xi32, #tpu.memory_space<vmem>>) target_semaphore(%run_scoped3A_255 : memref<!tpu.dma_semaphore, #tpu.memory_space<semaphore_mem>>)
          %dma_wait3A_264 = arith.constant 0 : i32
          %dma_wait3A_265 = tpu.memref_slice %arg7[%run_scoped3A_226, %dma_wait3A_264] : memref<2x112xi32, #tpu.memory_space<vmem>> -> memref<1x112xi32, #tpu.memory_space<vmem>>
          %dma_wait3A_266 = tpu.memref_squeeze %dma_wait3A_265 : memref<1x112xi32, #tpu.memory_space<vmem>> -> memref<112xi32, #tpu.memory_space<vmem>>
          %dma_wait3A_267 = tpu.memref_slice %arg4[%add3A_225] : memref<1605632xi32, #tpu.memory_space<hbm>> -> memref<112xi32, #tpu.memory_space<hbm>>
          %dma_wait3A_268 = arith.constant 0 : i32
          %dma_wait3A_269 = tpu.memref_slice %arg7[%run_scoped3A_226, %dma_wait3A_268] : memref<2x112xi32, #tpu.memory_space<vmem>> -> memref<1x112xi32, #tpu.memory_space<vmem>>
          %dma_wait3A_270 = tpu.memref_squeeze %dma_wait3A_269 : memref<1x112xi32, #tpu.memory_space<vmem>> -> memref<112xi32, #tpu.memory_space<vmem>>
          %dma_wait3A_271 = tpu.memref_slice %arg4[%add3A_225] : memref<1605632xi32, #tpu.memory_space<hbm>> -> memref<112xi32, #tpu.memory_space<hbm>>
          tpu.wait_dma2 semaphore(%run_scoped3A_255 : memref<!tpu.dma_semaphore, #tpu.memory_space<semaphore_mem>>) src(%dma_wait3A_271 : memref<112xi32, #tpu.memory_space<hbm>>) dst(%dma_wait3A_270 : memref<112xi32, #tpu.memory_space<vmem>>)
          tpu.yield
        }) : () -> ()
        %mul3A_227 = arith.constant 112 : i32
        %mul3A_228 = arith.muli %add3A_222, %mul3A_227 : i32
        %add3A_229 = arith.addi %mul3A_2, %mul3A_228 : i32
        %run_scoped3A_230 = arith.constant 0 : i32
        "tpu.region"() ({
          %run_scoped3A_255 = tpu.sem_alloc : memref<!tpu.dma_semaphore, #tpu.memory_space<semaphore_mem>>
          %dma_start3A_256 = arith.constant 0 : i32
          %dma_start3A_257 = tpu.memref_slice %arg8[%run_scoped3A_230, %dma_start3A_256] : memref<2x112xi32, #tpu.memory_space<vmem>> -> memref<1x112xi32, #tpu.memory_space<vmem>>
          %dma_start3A_258 = tpu.memref_squeeze %dma_start3A_257 : memref<1x112xi32, #tpu.memory_space<vmem>> -> memref<112xi32, #tpu.memory_space<vmem>>
          %dma_start3A_259 = tpu.memref_slice %arg5[%add3A_229] : memref<1605632xi32, #tpu.memory_space<hbm>> -> memref<112xi32, #tpu.memory_space<hbm>>
          %dma_start3A_260 = arith.constant 0 : i32
          %dma_start3A_261 = tpu.memref_slice %arg8[%run_scoped3A_230, %dma_start3A_260] : memref<2x112xi32, #tpu.memory_space<vmem>> -> memref<1x112xi32, #tpu.memory_space<vmem>>
          %dma_start3A_262 = tpu.memref_squeeze %dma_start3A_261 : memref<1x112xi32, #tpu.memory_space<vmem>> -> memref<112xi32, #tpu.memory_space<vmem>>
          %dma_start3A_263 = tpu.memref_slice %arg5[%add3A_229] : memref<1605632xi32, #tpu.memory_space<hbm>> -> memref<112xi32, #tpu.memory_space<hbm>>
          tpu.enqueue_dma source(%dma_start3A_263 : memref<112xi32, #tpu.memory_space<hbm>>) target(%dma_start3A_262 : memref<112xi32, #tpu.memory_space<vmem>>) target_semaphore(%run_scoped3A_255 : memref<!tpu.dma_semaphore, #tpu.memory_space<semaphore_mem>>)
          %dma_wait3A_264 = arith.constant 0 : i32
          %dma_wait3A_265 = tpu.memref_slice %arg8[%run_scoped3A_230, %dma_wait3A_264] : memref<2x112xi32, #tpu.memory_space<vmem>> -> memref<1x112xi32, #tpu.memory_space<vmem>>
          %dma_wait3A_266 = tpu.memref_squeeze %dma_wait3A_265 : memref<1x112xi32, #tpu.memory_space<vmem>> -> memref<112xi32, #tpu.memory_space<vmem>>
          %dma_wait3A_267 = tpu.memref_slice %arg5[%add3A_229] : memref<1605632xi32, #tpu.memory_space<hbm>> -> memref<112xi32, #tpu.memory_space<hbm>>
          %dma_wait3A_268 = arith.constant 0 : i32
          %dma_wait3A_269 = tpu.memref_slice %arg8[%run_scoped3A_230, %dma_wait3A_268] : memref<2x112xi32, #tpu.memory_space<vmem>> -> memref<1x112xi32, #tpu.memory_space<vmem>>
          %dma_wait3A_270 = tpu.memref_squeeze %dma_wait3A_269 : memref<1x112xi32, #tpu.memory_space<vmem>> -> memref<112xi32, #tpu.memory_space<vmem>>
          %dma_wait3A_271 = tpu.memref_slice %arg5[%add3A_229] : memref<1605632xi32, #tpu.memory_space<hbm>> -> memref<112xi32, #tpu.memory_space<hbm>>
          tpu.wait_dma2 semaphore(%run_scoped3A_255 : memref<!tpu.dma_semaphore, #tpu.memory_space<semaphore_mem>>) src(%dma_wait3A_271 : memref<112xi32, #tpu.memory_space<hbm>>) dst(%dma_wait3A_270 : memref<112xi32, #tpu.memory_space<vmem>>)
          tpu.yield
        }) : () -> ()
        %dma_start3A_231 = arith.constant 0 : i32
        %dma_start3A_232 = arith.constant 0 : i32
        %dma_start3A_233 = arith.constant 0 : i32
        %dma_start3A_234 = arith.constant 0 : i32
        %dma_start3A_235 = tpu.memref_slice %arg9[%dma_start3A_232, %dma_start3A_233, %dma_start3A_234] : memref<2x112x128xf32, #tpu.memory_space<vmem>> -> memref<1x112x128xf32, #tpu.memory_space<vmem>>
        %dma_start3A_236 = tpu.memref_squeeze %dma_start3A_235 : memref<1x112x128xf32, #tpu.memory_space<vmem>> -> memref<112x128xf32, #tpu.memory_space<vmem>>
        %dma_start3A_237 = arith.constant 0 : i32
        %dma_start3A_238 = tpu.memref_slice %arg7[%dma_start3A_231, %dma_start3A_237] : memref<2x112xi32, #tpu.memory_space<vmem>> -> memref<1x112xi32, #tpu.memory_space<vmem>>
        %dma_start3A_239 = tpu.memref_squeeze %dma_start3A_238 : memref<1x112xi32, #tpu.memory_space<vmem>> -> memref<112xi32, #tpu.memory_space<vmem>>
        %dma_start3A_240 = arith.constant 0 : i32
        %dma_start3A_241 = arith.constant 0 : i32
        %dma_start3A_242 = tpu.memref_slice %arg2[%dma_start3A_240, %dma_start3A_241] : memref<100352x128xf32, #tpu.memory_space<hbm>> -> memref<100352x128xf32, #tpu.memory_space<hbm>>
        tpu.enqueue_indirect_dma source(%dma_start3A_242 : memref<100352x128xf32, #tpu.memory_space<hbm>>) target(%dma_start3A_236 : memref<112x128xf32, #tpu.memory_space<vmem>>) offsets(%dma_start3A_239 : memref<112xi32, #tpu.memory_space<vmem>>) semaphore(%arg12 : memref<!tpu.dma_semaphore, #tpu.memory_space<semaphore_mem>>)
        %dma_start3A_243 = arith.constant 0 : i32
        %dma_start3A_244 = arith.constant 0 : i32
        %dma_start3A_245 = arith.constant 0 : i32
        %dma_start3A_246 = arith.constant 0 : i32
        %dma_start3A_247 = tpu.memref_slice %arg10[%dma_start3A_244, %dma_start3A_245, %dma_start3A_246] : memref<2x112x128xf32, #tpu.memory_space<vmem>> -> memref<1x112x128xf32, #tpu.memory_space<vmem>>
        %dma_start3A_248 = tpu.memref_squeeze %dma_start3A_247 : memref<1x112x128xf32, #tpu.memory_space<vmem>> -> memref<112x128xf32, #tpu.memory_space<vmem>>
        %dma_start3A_249 = arith.constant 0 : i32
        %dma_start3A_250 = tpu.memref_slice %arg8[%dma_start3A_243, %dma_start3A_249] : memref<2x112xi32, #tpu.memory_space<vmem>> -> memref<1x112xi32, #tpu.memory_space<vmem>>
        %dma_start3A_251 = tpu.memref_squeeze %dma_start3A_250 : memref<1x112xi32, #tpu.memory_space<vmem>> -> memref<112xi32, #tpu.memory_space<vmem>>
        %dma_start3A_252 = arith.constant 0 : i32
        %dma_start3A_253 = arith.constant 0 : i32
        %dma_start3A_254 = tpu.memref_slice %arg3[%dma_start3A_252, %dma_start3A_253] : memref<100352x128xf32, #tpu.memory_space<hbm>> -> memref<100352x128xf32, #tpu.memory_space<hbm>>
        tpu.enqueue_indirect_dma source(%dma_start3A_254 : memref<100352x128xf32, #tpu.memory_space<hbm>>) target(%dma_start3A_248 : memref<112x128xf32, #tpu.memory_space<vmem>>) offsets(%dma_start3A_251 : memref<112xi32, #tpu.memory_space<vmem>>) semaphore(%arg14 : memref<!tpu.dma_semaphore, #tpu.memory_space<semaphore_mem>>)
      } else {
      }
      %mul3A_157 = arith.constant 2 : i32
      %mul3A_158 = arith.muli %scan3A_96, %mul3A_157 : i32
      %add3A_159 = arith.constant 1 : i32
      %add3A_160 = arith.addi %mul3A_158, %add3A_159 : i32
      %dma_wait3A_161 = arith.constant 1 : i32
      %dma_wait3A_162 = arith.constant 1 : i32
      %dma_wait3A_163 = arith.constant 0 : i32
      %dma_wait3A_164 = arith.constant 0 : i32
      %dma_wait3A_165 = tpu.memref_slice %arg9[%dma_wait3A_162, %dma_wait3A_163, %dma_wait3A_164] : memref<2x112x128xf32, #tpu.memory_space<vmem>> -> memref<1x112x128xf32, #tpu.memory_space<vmem>>
      %dma_wait3A_166 = tpu.memref_squeeze %dma_wait3A_165 : memref<1x112x128xf32, #tpu.memory_space<vmem>> -> memref<112x128xf32, #tpu.memory_space<vmem>>
      %dma_wait3A_167 = arith.constant 0 : i32
      %dma_wait3A_168 = tpu.memref_slice %arg7[%dma_wait3A_161, %dma_wait3A_167] : memref<2x112xi32, #tpu.memory_space<vmem>> -> memref<1x112xi32, #tpu.memory_space<vmem>>
      %dma_wait3A_169 = tpu.memref_squeeze %dma_wait3A_168 : memref<1x112xi32, #tpu.memory_space<vmem>> -> memref<112xi32, #tpu.memory_space<vmem>>
      %dma_wait3A_170 = arith.constant 0 : i32
      %dma_wait3A_171 = arith.constant 0 : i32
      %dma_wait3A_172 = tpu.memref_slice %arg2[%dma_wait3A_170, %dma_wait3A_171] : memref<100352x128xf32, #tpu.memory_space<hbm>> -> memref<100352x128xf32, #tpu.memory_space<hbm>>
      tpu.wait_indirect_dma semaphore(%arg13 : memref<!tpu.dma_semaphore, #tpu.memory_space<semaphore_mem>>) src(%dma_wait3A_172 : memref<100352x128xf32, #tpu.memory_space<hbm>>) dst(%dma_wait3A_166 : memref<112x128xf32, #tpu.memory_space<vmem>>)
      %dma_wait3A_173 = arith.constant 1 : i32
      %dma_wait3A_174 = arith.constant 1 : i32
      %dma_wait3A_175 = arith.constant 0 : i32
      %dma_wait3A_176 = arith.constant 0 : i32
      %dma_wait3A_177 = tpu.memref_slice %arg10[%dma_wait3A_174, %dma_wait3A_175, %dma_wait3A_176] : memref<2x112x128xf32, #tpu.memory_space<vmem>> -> memref<1x112x128xf32, #tpu.memory_space<vmem>>
      %dma_wait3A_178 = tpu.memref_squeeze %dma_wait3A_177 : memref<1x112x128xf32, #tpu.memory_space<vmem>> -> memref<112x128xf32, #tpu.memory_space<vmem>>
      %dma_wait3A_179 = arith.constant 0 : i32
      %dma_wait3A_180 = tpu.memref_slice %arg8[%dma_wait3A_173, %dma_wait3A_179] : memref<2x112xi32, #tpu.memory_space<vmem>> -> memref<1x112xi32, #tpu.memory_space<vmem>>
      %dma_wait3A_181 = tpu.memref_squeeze %dma_wait3A_180 : memref<1x112xi32, #tpu.memory_space<vmem>> -> memref<112xi32, #tpu.memory_space<vmem>>
      %dma_wait3A_182 = arith.constant 0 : i32
      %dma_wait3A_183 = arith.constant 0 : i32
      %dma_wait3A_184 = tpu.memref_slice %arg3[%dma_wait3A_182, %dma_wait3A_183] : memref<100352x128xf32, #tpu.memory_space<hbm>> -> memref<100352x128xf32, #tpu.memory_space<hbm>>
      tpu.wait_indirect_dma semaphore(%arg15 : memref<!tpu.dma_semaphore, #tpu.memory_space<semaphore_mem>>) src(%dma_wait3A_184 : memref<100352x128xf32, #tpu.memory_space<hbm>>) dst(%dma_wait3A_178 : memref<112x128xf32, #tpu.memory_space<vmem>>)
      %ge3A_185 = arith.constant 2 : i32
      %ge3A_186 = arith.cmpi sge, %add3A_160, %ge3A_185 : i32
      %convert_element_type3A_187 = arith.extui %ge3A_186 : i1 to i32
      %cond3A_188 = arith.constant 0 : i32
      %cond3A_189 = arith.cmpi ne, %convert_element_type3A_187, %cond3A_188 : i32
      scf.if %cond3A_189 {
        %sub3A = arith.constant 2 : i32
        %sub3A_221 = arith.subi %add3A_160, %sub3A : i32
        %mul3A_222 = arith.constant 112 : i32
        %mul3A_223 = arith.muli %sub3A_221, %mul3A_222 : i32
        %add3A_224 = arith.addi %mul3A_2, %mul3A_223 : i32
        %dma_wait3A_225 = arith.constant 1 : i32
        %dma_wait3A_226 = arith.constant 0 : i32
        %dma_wait3A_227 = arith.constant 0 : i32
        %dma_wait3A_228 = tpu.memref_slice %arg11[%dma_wait3A_225, %dma_wait3A_226, %dma_wait3A_227] : memref<2x112x128xf32, #tpu.memory_space<vmem>> -> memref<1x112x128xf32, #tpu.memory_space<vmem>>
        %dma_wait3A_229 = tpu.memref_squeeze %dma_wait3A_228 : memref<1x112x128xf32, #tpu.memory_space<vmem>> -> memref<112x128xf32, #tpu.memory_space<vmem>>
        %dma_wait3A_230 = arith.constant 0 : i32
        %dma_wait3A_231 = tpu.memref_slice %arg6[%add3A_224, %dma_wait3A_230] : memref<1605632x128xf32, #tpu.memory_space<hbm>> -> memref<112x128xf32, #tpu.memory_space<hbm>>
        %dma_wait3A_232 = arith.constant 0 : i32
        %dma_wait3A_233 = tpu.memref_slice %arg6[%add3A_224, %dma_wait3A_232] : memref<1605632x128xf32, #tpu.memory_space<hbm>> -> memref<112x128xf32, #tpu.memory_space<hbm>>
        %dma_wait3A_234 = arith.constant 0 : i32
        %dma_wait3A_235 = arith.constant 0 : i32
        %dma_wait3A_236 = tpu.memref_slice %arg11[%dma_wait3A_225, %dma_wait3A_234, %dma_wait3A_235] : memref<2x112x128xf32, #tpu.memory_space<vmem>> -> memref<1x112x128xf32, #tpu.memory_space<vmem>>
        %dma_wait3A_237 = tpu.memref_squeeze %dma_wait3A_236 : memref<1x112x128xf32, #tpu.memory_space<vmem>> -> memref<112x128xf32, #tpu.memory_space<vmem>>
        tpu.wait_dma2 semaphore(%arg17 : memref<!tpu.dma_semaphore, #tpu.memory_space<semaphore_mem>>) src(%dma_wait3A_237 : memref<112x128xf32, #tpu.memory_space<vmem>>) dst(%dma_wait3A_233 : memref<112x128xf32, #tpu.memory_space<hbm>>)
      } else {
      }
      %scan3A_190 = arith.constant 0 : i32
      %scan3A_191 = arith.constant 0 : i32
      %scan3A_192 = arith.constant 112 : i32
      %scan3A_193 = arith.addi %scan3A_191, %scan3A_192 : i32
      %scan3A_194 = arith.constant 1 : i32
      %scan3A_195 = scf.for %scan3A_221 = %scan3A_191 to %scan3A_193 step %scan3A_194 iter_args(%scan3A_222 = %scan3A_190) -> (i32)  : i32 {
        %get3A = arith.constant 1 : i32
        %get3A_223 = arith.index_cast %get3A : i32 to index
        %get3A_224 = arith.index_cast %scan3A_221 : i32 to index
        %get3A_225 = arith.constant 0 : index
        %get3A_226 = tpu.vector_load %arg9[%get3A_223, %get3A_224, %get3A_225] {strides = array<i32>} : memref<2x112x128xf32, #tpu.memory_space<vmem>>, vector<1x1x16xf32>,
        %get3A_227 = vector.shape_cast %get3A_226 : vector<1x1x16xf32> to vector<16xf32>
        %get3A_228 = arith.constant 1 : i32
        %get3A_229 = arith.index_cast %get3A_228 : i32 to index
        %get3A_230 = arith.index_cast %scan3A_221 : i32 to index
        %get3A_231 = arith.constant 0 : index
        %get3A_232 = tpu.vector_load %arg10[%get3A_229, %get3A_230, %get3A_231] {strides = array<i32>} : memref<2x112x128xf32, #tpu.memory_space<vmem>>, vector<1x1x16xf32>,
        %get3A_233 = vector.shape_cast %get3A_232 : vector<1x1x16xf32> to vector<16xf32>
        %add3A_234 = arith.addf %get3A_227, %get3A_233 : vector<16xf32>
        %swap3A = arith.constant 1 : i32
        %swap3A_235 = arith.index_cast %swap3A : i32 to index
        %swap3A_236 = arith.index_cast %scan3A_221 : i32 to index
        %swap3A_237 = arith.constant 0 : index
        %swap3A_238 = tpu.vector_load %arg11[%swap3A_235, %swap3A_236, %swap3A_237] {strides = array<i32>} : memref<2x112x128xf32, #tpu.memory_space<vmem>>, vector<1x1x16xf32>,
        %swap3A_239 = vector.shape_cast %swap3A_238 : vector<1x1x16xf32> to vector<16xf32>
        %swap3A_240 = vector.shape_cast %add3A_234 : vector<16xf32> to vector<1x1x16xf32>
        tpu.vector_store %arg11[%swap3A_235, %swap3A_236, %swap3A_237], %swap3A_240 {strides = array<i32>} : memref<2x112x128xf32, #tpu.memory_space<vmem>>, vector<1x1x16xf32>,
        %get3A_241 = arith.constant 1 : i32
        %get3A_242 = arith.index_cast %get3A_241 : i32 to index
        %get3A_243 = arith.index_cast %scan3A_221 : i32 to index
        %get3A_244 = arith.constant 16 : index
        %get3A_245 = tpu.vector_load %arg9[%get3A_242, %get3A_243, %get3A_244] {strides = array<i32>} : memref<2x112x128xf32, #tpu.memory_space<vmem>>, vector<1x1x16xf32>,
        %get3A_246 = vector.shape_cast %get3A_245 : vector<1x1x16xf32> to vector<16xf32>
        %get3A_247 = arith.constant 1 : i32
        %get3A_248 = arith.index_cast %get3A_247 : i32 to index
        %get3A_249 = arith.index_cast %scan3A_221 : i32 to index
        %get3A_250 = arith.constant 16 : index
        %get3A_251 = tpu.vector_load %arg10[%get3A_248, %get3A_249, %get3A_250] {strides = array<i32>} : memref<2x112x128xf32, #tpu.memory_space<vmem>>, vector<1x1x16xf32>,
        %get3A_252 = vector.shape_cast %get3A_251 : vector<1x1x16xf32> to vector<16xf32>
        %add3A_253 = arith.addf %get3A_246, %get3A_252 : vector<16xf32>
        %swap3A_254 = arith.constant 1 : i32
        %swap3A_255 = arith.index_cast %swap3A_254 : i32 to index
        %swap3A_256 = arith.index_cast %scan3A_221 : i32 to index
        %swap3A_257 = arith.constant 16 : index
        %swap3A_258 = tpu.vector_load %arg11[%swap3A_255, %swap3A_256, %swap3A_257] {strides = array<i32>} : memref<2x112x128xf32, #tpu.memory_space<vmem>>, vector<1x1x16xf32>,
        %swap3A_259 = vector.shape_cast %swap3A_258 : vector<1x1x16xf32> to vector<16xf32>
        %swap3A_260 = vector.shape_cast %add3A_253 : vector<16xf32> to vector<1x1x16xf32>
        tpu.vector_store %arg11[%swap3A_255, %swap3A_256, %swap3A_257], %swap3A_260 {strides = array<i32>} : memref<2x112x128xf32, #tpu.memory_space<vmem>>, vector<1x1x16xf32>,
        %get3A_261 = arith.constant 1 : i32
        %get3A_262 = arith.index_cast %get3A_261 : i32 to index
        %get3A_263 = arith.index_cast %scan3A_221 : i32 to index
        %get3A_264 = arith.constant 32 : index
        %get3A_265 = tpu.vector_load %arg9[%get3A_262, %get3A_263, %get3A_264] {strides = array<i32>} : memref<2x112x128xf32, #tpu.memory_space<vmem>>, vector<1x1x16xf32>,
        %get3A_266 = vector.shape_cast %get3A_265 : vector<1x1x16xf32> to vector<16xf32>
        %get3A_267 = arith.constant 1 : i32
        %get3A_268 = arith.index_cast %get3A_267 : i32 to index
        %get3A_269 = arith.index_cast %scan3A_221 : i32 to index
        %get3A_270 = arith.constant 32 : index
        %get3A_271 = tpu.vector_load %arg10[%get3A_268, %get3A_269, %get3A_270] {strides = array<i32>} : memref<2x112x128xf32, #tpu.memory_space<vmem>>, vector<1x1x16xf32>,
        %get3A_272 = vector.shape_cast %get3A_271 : vector<1x1x16xf32> to vector<16xf32>
        %add3A_273 = arith.addf %get3A_266, %get3A_272 : vector<16xf32>
        %swap3A_274 = arith.constant 1 : i32
        %swap3A_275 = arith.index_cast %swap3A_274 : i32 to index
        %swap3A_276 = arith.index_cast %scan3A_221 : i32 to index
        %swap3A_277 = arith.constant 32 : index
        %swap3A_278 = tpu.vector_load %arg11[%swap3A_275, %swap3A_276, %swap3A_277] {strides = array<i32>} : memref<2x112x128xf32, #tpu.memory_space<vmem>>, vector<1x1x16xf32>,
        %swap3A_279 = vector.shape_cast %swap3A_278 : vector<1x1x16xf32> to vector<16xf32>
        %swap3A_280 = vector.shape_cast %add3A_273 : vector<16xf32> to vector<1x1x16xf32>
        tpu.vector_store %arg11[%swap3A_275, %swap3A_276, %swap3A_277], %swap3A_280 {strides = array<i32>} : memref<2x112x128xf32, #tpu.memory_space<vmem>>, vector<1x1x16xf32>,
        %get3A_281 = arith.constant 1 : i32
        %get3A_282 = arith.index_cast %get3A_281 : i32 to index
        %get3A_283 = arith.index_cast %scan3A_221 : i32 to index
        %get3A_284 = arith.constant 48 : index
        %get3A_285 = tpu.vector_load %arg9[%get3A_282, %get3A_283, %get3A_284] {strides = array<i32>} : memref<2x112x128xf32, #tpu.memory_space<vmem>>, vector<1x1x16xf32>,
        %get3A_286 = vector.shape_cast %get3A_285 : vector<1x1x16xf32> to vector<16xf32>
        %get3A_287 = arith.constant 1 : i32
        %get3A_288 = arith.index_cast %get3A_287 : i32 to index
        %get3A_289 = arith.index_cast %scan3A_221 : i32 to index
        %get3A_290 = arith.constant 48 : index
        %get3A_291 = tpu.vector_load %arg10[%get3A_288, %get3A_289, %get3A_290] {strides = array<i32>} : memref<2x112x128xf32, #tpu.memory_space<vmem>>, vector<1x1x16xf32>,
        %get3A_292 = vector.shape_cast %get3A_291 : vector<1x1x16xf32> to vector<16xf32>
        %add3A_293 = arith.addf %get3A_286, %get3A_292 : vector<16xf32>
        %swap3A_294 = arith.constant 1 : i32
        %swap3A_295 = arith.index_cast %swap3A_294 : i32 to index
        %swap3A_296 = arith.index_cast %scan3A_221 : i32 to index
        %swap3A_297 = arith.constant 48 : index
        %swap3A_298 = tpu.vector_load %arg11[%swap3A_295, %swap3A_296, %swap3A_297] {strides = array<i32>} : memref<2x112x128xf32, #tpu.memory_space<vmem>>, vector<1x1x16xf32>,
        %swap3A_299 = vector.shape_cast %swap3A_298 : vector<1x1x16xf32> to vector<16xf32>
        %swap3A_300 = vector.shape_cast %add3A_293 : vector<16xf32> to vector<1x1x16xf32>
        tpu.vector_store %arg11[%swap3A_295, %swap3A_296, %swap3A_297], %swap3A_300 {strides = array<i32>} : memref<2x112x128xf32, #tpu.memory_space<vmem>>, vector<1x1x16xf32>,
        %get3A_301 = arith.constant 1 : i32
        %get3A_302 = arith.index_cast %get3A_301 : i32 to index
        %get3A_303 = arith.index_cast %scan3A_221 : i32 to index
        %get3A_304 = arith.constant 64 : index
        %get3A_305 = tpu.vector_load %arg9[%get3A_302, %get3A_303, %get3A_304] {strides = array<i32>} : memref<2x112x128xf32, #tpu.memory_space<vmem>>, vector<1x1x16xf32>,
        %get3A_306 = vector.shape_cast %get3A_305 : vector<1x1x16xf32> to vector<16xf32>
        %get3A_307 = arith.constant 1 : i32
        %get3A_308 = arith.index_cast %get3A_307 : i32 to index
        %get3A_309 = arith.index_cast %scan3A_221 : i32 to index
        %get3A_310 = arith.constant 64 : index
        %get3A_311 = tpu.vector_load %arg10[%get3A_308, %get3A_309, %get3A_310] {strides = array<i32>} : memref<2x112x128xf32, #tpu.memory_space<vmem>>, vector<1x1x16xf32>,
        %get3A_312 = vector.shape_cast %get3A_311 : vector<1x1x16xf32> to vector<16xf32>
        %add3A_313 = arith.addf %get3A_306, %get3A_312 : vector<16xf32>
        %swap3A_314 = arith.constant 1 : i32
        %swap3A_315 = arith.index_cast %swap3A_314 : i32 to index
        %swap3A_316 = arith.index_cast %scan3A_221 : i32 to index
        %swap3A_317 = arith.constant 64 : index
        %swap3A_318 = tpu.vector_load %arg11[%swap3A_315, %swap3A_316, %swap3A_317] {strides = array<i32>} : memref<2x112x128xf32, #tpu.memory_space<vmem>>, vector<1x1x16xf32>,
        %swap3A_319 = vector.shape_cast %swap3A_318 : vector<1x1x16xf32> to vector<16xf32>
        %swap3A_320 = vector.shape_cast %add3A_313 : vector<16xf32> to vector<1x1x16xf32>
        tpu.vector_store %arg11[%swap3A_315, %swap3A_316, %swap3A_317], %swap3A_320 {strides = array<i32>} : memref<2x112x128xf32, #tpu.memory_space<vmem>>, vector<1x1x16xf32>,
        %get3A_321 = arith.constant 1 : i32
        %get3A_322 = arith.index_cast %get3A_321 : i32 to index
        %get3A_323 = arith.index_cast %scan3A_221 : i32 to index
        %get3A_324 = arith.constant 80 : index
        %get3A_325 = tpu.vector_load %arg9[%get3A_322, %get3A_323, %get3A_324] {strides = array<i32>} : memref<2x112x128xf32, #tpu.memory_space<vmem>>, vector<1x1x16xf32>,
        %get3A_326 = vector.shape_cast %get3A_325 : vector<1x1x16xf32> to vector<16xf32>
        %get3A_327 = arith.constant 1 : i32
        %get3A_328 = arith.index_cast %get3A_327 : i32 to index
        %get3A_329 = arith.index_cast %scan3A_221 : i32 to index
        %get3A_330 = arith.constant 80 : index
        %get3A_331 = tpu.vector_load %arg10[%get3A_328, %get3A_329, %get3A_330] {strides = array<i32>} : memref<2x112x128xf32, #tpu.memory_space<vmem>>, vector<1x1x16xf32>,
        %get3A_332 = vector.shape_cast %get3A_331 : vector<1x1x16xf32> to vector<16xf32>
        %add3A_333 = arith.addf %get3A_326, %get3A_332 : vector<16xf32>
        %swap3A_334 = arith.constant 1 : i32
        %swap3A_335 = arith.index_cast %swap3A_334 : i32 to index
        %swap3A_336 = arith.index_cast %scan3A_221 : i32 to index
        %swap3A_337 = arith.constant 80 : index
        %swap3A_338 = tpu.vector_load %arg11[%swap3A_335, %swap3A_336, %swap3A_337] {strides = array<i32>} : memref<2x112x128xf32, #tpu.memory_space<vmem>>, vector<1x1x16xf32>,
        %swap3A_339 = vector.shape_cast %swap3A_338 : vector<1x1x16xf32> to vector<16xf32>
        %swap3A_340 = vector.shape_cast %add3A_333 : vector<16xf32> to vector<1x1x16xf32>
        tpu.vector_store %arg11[%swap3A_335, %swap3A_336, %swap3A_337], %swap3A_340 {strides = array<i32>} : memref<2x112x128xf32, #tpu.memory_space<vmem>>, vector<1x1x16xf32>,
        %get3A_341 = arith.constant 1 : i32
        %get3A_342 = arith.index_cast %get3A_341 : i32 to index
        %get3A_343 = arith.index_cast %scan3A_221 : i32 to index
        %get3A_344 = arith.constant 96 : index
        %get3A_345 = tpu.vector_load %arg9[%get3A_342, %get3A_343, %get3A_344] {strides = array<i32>} : memref<2x112x128xf32, #tpu.memory_space<vmem>>, vector<1x1x16xf32>,
        %get3A_346 = vector.shape_cast %get3A_345 : vector<1x1x16xf32> to vector<16xf32>
        %get3A_347 = arith.constant 1 : i32
        %get3A_348 = arith.index_cast %get3A_347 : i32 to index
        %get3A_349 = arith.index_cast %scan3A_221 : i32 to index
        %get3A_350 = arith.constant 96 : index
        %get3A_351 = tpu.vector_load %arg10[%get3A_348, %get3A_349, %get3A_350] {strides = array<i32>} : memref<2x112x128xf32, #tpu.memory_space<vmem>>, vector<1x1x16xf32>,
        %get3A_352 = vector.shape_cast %get3A_351 : vector<1x1x16xf32> to vector<16xf32>
        %add3A_353 = arith.addf %get3A_346, %get3A_352 : vector<16xf32>
        %swap3A_354 = arith.constant 1 : i32
        %swap3A_355 = arith.index_cast %swap3A_354 : i32 to index
        %swap3A_356 = arith.index_cast %scan3A_221 : i32 to index
        %swap3A_357 = arith.constant 96 : index
        %swap3A_358 = tpu.vector_load %arg11[%swap3A_355, %swap3A_356, %swap3A_357] {strides = array<i32>} : memref<2x112x128xf32, #tpu.memory_space<vmem>>, vector<1x1x16xf32>,
        %swap3A_359 = vector.shape_cast %swap3A_358 : vector<1x1x16xf32> to vector<16xf32>
        %swap3A_360 = vector.shape_cast %add3A_353 : vector<16xf32> to vector<1x1x16xf32>
        tpu.vector_store %arg11[%swap3A_355, %swap3A_356, %swap3A_357], %swap3A_360 {strides = array<i32>} : memref<2x112x128xf32, #tpu.memory_space<vmem>>, vector<1x1x16xf32>,
        %get3A_361 = arith.constant 1 : i32
        %get3A_362 = arith.index_cast %get3A_361 : i32 to index
        %get3A_363 = arith.index_cast %scan3A_221 : i32 to index
        %get3A_364 = arith.constant 112 : index
        %get3A_365 = tpu.vector_load %arg9[%get3A_362, %get3A_363, %get3A_364] {strides = array<i32>} : memref<2x112x128xf32, #tpu.memory_space<vmem>>, vector<1x1x16xf32>,
        %get3A_366 = vector.shape_cast %get3A_365 : vector<1x1x16xf32> to vector<16xf32>
        %get3A_367 = arith.constant 1 : i32
        %get3A_368 = arith.index_cast %get3A_367 : i32 to index
        %get3A_369 = arith.index_cast %scan3A_221 : i32 to index
        %get3A_370 = arith.constant 112 : index
        %get3A_371 = tpu.vector_load %arg10[%get3A_368, %get3A_369, %get3A_370] {strides = array<i32>} : memref<2x112x128xf32, #tpu.memory_space<vmem>>, vector<1x1x16xf32>,
        %get3A_372 = vector.shape_cast %get3A_371 : vector<1x1x16xf32> to vector<16xf32>
        %add3A_373 = arith.addf %get3A_366, %get3A_372 : vector<16xf32>
        %swap3A_374 = arith.constant 1 : i32
        %swap3A_375 = arith.index_cast %swap3A_374 : i32 to index
        %swap3A_376 = arith.index_cast %scan3A_221 : i32 to index
        %swap3A_377 = arith.constant 112 : index
        %swap3A_378 = tpu.vector_load %arg11[%swap3A_375, %swap3A_376, %swap3A_377] {strides = array<i32>} : memref<2x112x128xf32, #tpu.memory_space<vmem>>, vector<1x1x16xf32>,
        %swap3A_379 = vector.shape_cast %swap3A_378 : vector<1x1x16xf32> to vector<16xf32>
        %swap3A_380 = vector.shape_cast %add3A_373 : vector<16xf32> to vector<1x1x16xf32>
        tpu.vector_store %arg11[%swap3A_375, %swap3A_376, %swap3A_377], %swap3A_380 {strides = array<i32>} : memref<2x112x128xf32, #tpu.memory_space<vmem>>, vector<1x1x16xf32>,
        %scan3A_381 = arith.constant 0 : i32
        scf.yield %scan3A_381 : i32
      }
      %scan3A_196 = arith.constant 112 : i32
      %mul3A_197 = arith.constant 112 : i32
      %mul3A_198 = arith.muli %add3A_160, %mul3A_197 : i32
      %add3A_199 = arith.addi %mul3A_2, %mul3A_198 : i32
      %dma_start3A_200 = arith.constant 1 : i32
      %dma_start3A_201 = arith.constant 0 : i32
      %dma_start3A_202 = arith.constant 0 : i32
      %dma_start3A_203 = tpu.memref_slice %arg11[%dma_start3A_200, %dma_start3A_201, %dma_start3A_202] : memref<2x112x128xf32, #tpu.memory_space<vmem>> -> memref<1x112x128xf32, #tpu.memory_space<vmem>>
      %dma_start3A_204 = tpu.memref_squeeze %dma_start3A_203 : memref<1x112x128xf32, #tpu.memory_space<vmem>> -> memref<112x128xf32, #tpu.memory_space<vmem>>
      %dma_start3A_205 = arith.constant 0 : i32
      %dma_start3A_206 = tpu.memref_slice %arg6[%add3A_199, %dma_start3A_205] : memref<1605632x128xf32, #tpu.memory_space<hbm>> -> memref<112x128xf32, #tpu.memory_space<hbm>>
      %dma_start3A_207 = arith.constant 0 : i32
      %dma_start3A_208 = tpu.memref_slice %arg6[%add3A_199, %dma_start3A_207] : memref<1605632x128xf32, #tpu.memory_space<hbm>> -> memref<112x128xf32, #tpu.memory_space<hbm>>
      %dma_start3A_209 = arith.constant 0 : i32
      %dma_start3A_210 = arith.constant 0 : i32
      %dma_start3A_211 = tpu.memref_slice %arg11[%dma_start3A_200, %dma_start3A_209, %dma_start3A_210] : memref<2x112x128xf32, #tpu.memory_space<vmem>> -> memref<1x112x128xf32, #tpu.memory_space<vmem>>
      %dma_start3A_212 = tpu.memref_squeeze %dma_start3A_211 : memref<1x112x128xf32, #tpu.memory_space<vmem>> -> memref<112x128xf32, #tpu.memory_space<vmem>>
      tpu.enqueue_dma source(%dma_start3A_212 : memref<112x128xf32, #tpu.memory_space<vmem>>) target(%dma_start3A_208 : memref<112x128xf32, #tpu.memory_space<hbm>>) target_semaphore(%arg17 : memref<!tpu.dma_semaphore, #tpu.memory_space<semaphore_mem>>)
      %add3A_213 = arith.constant 2 : i32
      %add3A_214 = arith.addi %add3A_160, %add3A_213 : i32
      %lt3A_215 = arith.constant 448 : i32
      %lt3A_216 = arith.cmpi slt, %add3A_214, %lt3A_215 : i32
      %convert_element_type3A_217 = arith.extui %lt3A_216 : i1 to i32
      %cond3A_218 = arith.constant 0 : i32
      %cond3A_219 = arith.cmpi ne, %convert_element_type3A_217, %cond3A_218 : i32
      scf.if %cond3A_219 {
        %add3A_221 = arith.constant 2 : i32
        %add3A_222 = arith.addi %add3A_160, %add3A_221 : i32
        %mul3A_223 = arith.constant 112 : i32
        %mul3A_224 = arith.muli %add3A_222, %mul3A_223 : i32
        %add3A_225 = arith.addi %mul3A_2, %mul3A_224 : i32
        %run_scoped3A_226 = arith.constant 1 : i32
        "tpu.region"() ({
          %run_scoped3A_255 = tpu.sem_alloc : memref<!tpu.dma_semaphore, #tpu.memory_space<semaphore_mem>>
          %dma_start3A_256 = arith.constant 0 : i32
          %dma_start3A_257 = tpu.memref_slice %arg7[%run_scoped3A_226, %dma_start3A_256] : memref<2x112xi32, #tpu.memory_space<vmem>> -> memref<1x112xi32, #tpu.memory_space<vmem>>
          %dma_start3A_258 = tpu.memref_squeeze %dma_start3A_257 : memref<1x112xi32, #tpu.memory_space<vmem>> -> memref<112xi32, #tpu.memory_space<vmem>>
          %dma_start3A_259 = tpu.memref_slice %arg4[%add3A_225] : memref<1605632xi32, #tpu.memory_space<hbm>> -> memref<112xi32, #tpu.memory_space<hbm>>
          %dma_start3A_260 = arith.constant 0 : i32
          %dma_start3A_261 = tpu.memref_slice %arg7[%run_scoped3A_226, %dma_start3A_260] : memref<2x112xi32, #tpu.memory_space<vmem>> -> memref<1x112xi32, #tpu.memory_space<vmem>>
          %dma_start3A_262 = tpu.memref_squeeze %dma_start3A_261 : memref<1x112xi32, #tpu.memory_space<vmem>> -> memref<112xi32, #tpu.memory_space<vmem>>
          %dma_start3A_263 = tpu.memref_slice %arg4[%add3A_225] : memref<1605632xi32, #tpu.memory_space<hbm>> -> memref<112xi32, #tpu.memory_space<hbm>>
          tpu.enqueue_dma source(%dma_start3A_263 : memref<112xi32, #tpu.memory_space<hbm>>) target(%dma_start3A_262 : memref<112xi32, #tpu.memory_space<vmem>>) target_semaphore(%run_scoped3A_255 : memref<!tpu.dma_semaphore, #tpu.memory_space<semaphore_mem>>)
          %dma_wait3A_264 = arith.constant 0 : i32
          %dma_wait3A_265 = tpu.memref_slice %arg7[%run_scoped3A_226, %dma_wait3A_264] : memref<2x112xi32, #tpu.memory_space<vmem>> -> memref<1x112xi32, #tpu.memory_space<vmem>>
          %dma_wait3A_266 = tpu.memref_squeeze %dma_wait3A_265 : memref<1x112xi32, #tpu.memory_space<vmem>> -> memref<112xi32, #tpu.memory_space<vmem>>
          %dma_wait3A_267 = tpu.memref_slice %arg4[%add3A_225] : memref<1605632xi32, #tpu.memory_space<hbm>> -> memref<112xi32, #tpu.memory_space<hbm>>
          %dma_wait3A_268 = arith.constant 0 : i32
          %dma_wait3A_269 = tpu.memref_slice %arg7[%run_scoped3A_226, %dma_wait3A_268] : memref<2x112xi32, #tpu.memory_space<vmem>> -> memref<1x112xi32, #tpu.memory_space<vmem>>
          %dma_wait3A_270 = tpu.memref_squeeze %dma_wait3A_269 : memref<1x112xi32, #tpu.memory_space<vmem>> -> memref<112xi32, #tpu.memory_space<vmem>>
          %dma_wait3A_271 = tpu.memref_slice %arg4[%add3A_225] : memref<1605632xi32, #tpu.memory_space<hbm>> -> memref<112xi32, #tpu.memory_space<hbm>>
          tpu.wait_dma2 semaphore(%run_scoped3A_255 : memref<!tpu.dma_semaphore, #tpu.memory_space<semaphore_mem>>) src(%dma_wait3A_271 : memref<112xi32, #tpu.memory_space<hbm>>) dst(%dma_wait3A_270 : memref<112xi32, #tpu.memory_space<vmem>>)
          tpu.yield
        }) : () -> ()
        %mul3A_227 = arith.constant 112 : i32
        %mul3A_228 = arith.muli %add3A_222, %mul3A_227 : i32
        %add3A_229 = arith.addi %mul3A_2, %mul3A_228 : i32
        %run_scoped3A_230 = arith.constant 1 : i32
        "tpu.region"() ({
          %run_scoped3A_255 = tpu.sem_alloc : memref<!tpu.dma_semaphore, #tpu.memory_space<semaphore_mem>>
          %dma_start3A_256 = arith.constant 0 : i32
          %dma_start3A_257 = tpu.memref_slice %arg8[%run_scoped3A_230, %dma_start3A_256] : memref<2x112xi32, #tpu.memory_space<vmem>> -> memref<1x112xi32, #tpu.memory_space<vmem>>
          %dma_start3A_258 = tpu.memref_squeeze %dma_start3A_257 : memref<1x112xi32, #tpu.memory_space<vmem>> -> memref<112xi32, #tpu.memory_space<vmem>>
          %dma_start3A_259 = tpu.memref_slice %arg5[%add3A_229] : memref<1605632xi32, #tpu.memory_space<hbm>> -> memref<112xi32, #tpu.memory_space<hbm>>
          %dma_start3A_260 = arith.constant 0 : i32
          %dma_start3A_261 = tpu.memref_slice %arg8[%run_scoped3A_230, %dma_start3A_260] : memref<2x112xi32, #tpu.memory_space<vmem>> -> memref<1x112xi32, #tpu.memory_space<vmem>>
          %dma_start3A_262 = tpu.memref_squeeze %dma_start3A_261 : memref<1x112xi32, #tpu.memory_space<vmem>> -> memref<112xi32, #tpu.memory_space<vmem>>
          %dma_start3A_263 = tpu.memref_slice %arg5[%add3A_229] : memref<1605632xi32, #tpu.memory_space<hbm>> -> memref<112xi32, #tpu.memory_space<hbm>>
          tpu.enqueue_dma source(%dma_start3A_263 : memref<112xi32, #tpu.memory_space<hbm>>) target(%dma_start3A_262 : memref<112xi32, #tpu.memory_space<vmem>>) target_semaphore(%run_scoped3A_255 : memref<!tpu.dma_semaphore, #tpu.memory_space<semaphore_mem>>)
          %dma_wait3A_264 = arith.constant 0 : i32
          %dma_wait3A_265 = tpu.memref_slice %arg8[%run_scoped3A_230, %dma_wait3A_264] : memref<2x112xi32, #tpu.memory_space<vmem>> -> memref<1x112xi32, #tpu.memory_space<vmem>>
          %dma_wait3A_266 = tpu.memref_squeeze %dma_wait3A_265 : memref<1x112xi32, #tpu.memory_space<vmem>> -> memref<112xi32, #tpu.memory_space<vmem>>
          %dma_wait3A_267 = tpu.memref_slice %arg5[%add3A_229] : memref<1605632xi32, #tpu.memory_space<hbm>> -> memref<112xi32, #tpu.memory_space<hbm>>
          %dma_wait3A_268 = arith.constant 0 : i32
          %dma_wait3A_269 = tpu.memref_slice %arg8[%run_scoped3A_230, %dma_wait3A_268] : memref<2x112xi32, #tpu.memory_space<vmem>> -> memref<1x112xi32, #tpu.memory_space<vmem>>
          %dma_wait3A_270 = tpu.memref_squeeze %dma_wait3A_269 : memref<1x112xi32, #tpu.memory_space<vmem>> -> memref<112xi32, #tpu.memory_space<vmem>>
          %dma_wait3A_271 = tpu.memref_slice %arg5[%add3A_229] : memref<1605632xi32, #tpu.memory_space<hbm>> -> memref<112xi32, #tpu.memory_space<hbm>>
          tpu.wait_dma2 semaphore(%run_scoped3A_255 : memref<!tpu.dma_semaphore, #tpu.memory_space<semaphore_mem>>) src(%dma_wait3A_271 : memref<112xi32, #tpu.memory_space<hbm>>) dst(%dma_wait3A_270 : memref<112xi32, #tpu.memory_space<vmem>>)
          tpu.yield
        }) : () -> ()
        %dma_start3A_231 = arith.constant 1 : i32
        %dma_start3A_232 = arith.constant 1 : i32
        %dma_start3A_233 = arith.constant 0 : i32
        %dma_start3A_234 = arith.constant 0 : i32
        %dma_start3A_235 = tpu.memref_slice %arg9[%dma_start3A_232, %dma_start3A_233, %dma_start3A_234] : memref<2x112x128xf32, #tpu.memory_space<vmem>> -> memref<1x112x128xf32, #tpu.memory_space<vmem>>
        %dma_start3A_236 = tpu.memref_squeeze %dma_start3A_235 : memref<1x112x128xf32, #tpu.memory_space<vmem>> -> memref<112x128xf32, #tpu.memory_space<vmem>>
        %dma_start3A_237 = arith.constant 0 : i32
        %dma_start3A_238 = tpu.memref_slice %arg7[%dma_start3A_231, %dma_start3A_237] : memref<2x112xi32, #tpu.memory_space<vmem>> -> memref<1x112xi32, #tpu.memory_space<vmem>>
        %dma_start3A_239 = tpu.memref_squeeze %dma_start3A_238 : memref<1x112xi32, #tpu.memory_space<vmem>> -> memref<112xi32, #tpu.memory_space<vmem>>
        %dma_start3A_240 = arith.constant 0 : i32
        %dma_start3A_241 = arith.constant 0 : i32
        %dma_start3A_242 = tpu.memref_slice %arg2[%dma_start3A_240, %dma_start3A_241] : memref<100352x128xf32, #tpu.memory_space<hbm>> -> memref<100352x128xf32, #tpu.memory_space<hbm>>
        tpu.enqueue_indirect_dma source(%dma_start3A_242 : memref<100352x128xf32, #tpu.memory_space<hbm>>) target(%dma_start3A_236 : memref<112x128xf32, #tpu.memory_space<vmem>>) offsets(%dma_start3A_239 : memref<112xi32, #tpu.memory_space<vmem>>) semaphore(%arg13 : memref<!tpu.dma_semaphore, #tpu.memory_space<semaphore_mem>>)
        %dma_start3A_243 = arith.constant 1 : i32
        %dma_start3A_244 = arith.constant 1 : i32
        %dma_start3A_245 = arith.constant 0 : i32
        %dma_start3A_246 = arith.constant 0 : i32
        %dma_start3A_247 = tpu.memref_slice %arg10[%dma_start3A_244, %dma_start3A_245, %dma_start3A_246] : memref<2x112x128xf32, #tpu.memory_space<vmem>> -> memref<1x112x128xf32, #tpu.memory_space<vmem>>
        %dma_start3A_248 = tpu.memref_squeeze %dma_start3A_247 : memref<1x112x128xf32, #tpu.memory_space<vmem>> -> memref<112x128xf32, #tpu.memory_space<vmem>>
        %dma_start3A_249 = arith.constant 0 : i32
        %dma_start3A_250 = tpu.memref_slice %arg8[%dma_start3A_243, %dma_start3A_249] : memref<2x112xi32, #tpu.memory_space<vmem>> -> memref<1x112xi32, #tpu.memory_space<vmem>>
        %dma_start3A_251 = tpu.memref_squeeze %dma_start3A_250 : memref<1x112xi32, #tpu.memory_space<vmem>> -> memref<112xi32, #tpu.memory_space<vmem>>
        %dma_start3A_252 = arith.constant 0 : i32
        %dma_start3A_253 = arith.constant 0 : i32
        %dma_start3A_254 = tpu.memref_slice %arg3[%dma_start3A_252, %dma_start3A_253] : memref<100352x128xf32, #tpu.memory_space<hbm>> -> memref<100352x128xf32, #tpu.memory_space<hbm>>
        tpu.enqueue_indirect_dma source(%dma_start3A_254 : memref<100352x128xf32, #tpu.memory_space<hbm>>) target(%dma_start3A_248 : memref<112x128xf32, #tpu.memory_space<vmem>>) offsets(%dma_start3A_251 : memref<112xi32, #tpu.memory_space<vmem>>) semaphore(%arg15 : memref<!tpu.dma_semaphore, #tpu.memory_space<semaphore_mem>>)
      } else {
      }
      %scan3A_220 = arith.constant 0 : i32
      scf.yield %scan3A_220 : i32
    }
    %scan3A_66 = arith.constant 224 : i32
    %add3A_67 = arith.constant 49952 : i32
    %add3A_68 = arith.addi %mul3A_2, %add3A_67 : i32
    %dma_wait3A = arith.constant 0 : i32
    %dma_wait3A_69 = arith.constant 0 : i32
    %dma_wait3A_70 = arith.constant 0 : i32
    %dma_wait3A_71 = tpu.memref_slice %arg11[%dma_wait3A, %dma_wait3A_69, %dma_wait3A_70] : memref<2x112x128xf32, #tpu.memory_space<vmem>> -> memref<1x112x128xf32, #tpu.memory_space<vmem>>
    %dma_wait3A_72 = tpu.memref_squeeze %dma_wait3A_71 : memref<1x112x128xf32, #tpu.memory_space<vmem>> -> memref<112x128xf32, #tpu.memory_space<vmem>>
    %dma_wait3A_73 = arith.constant 0 : i32
    %dma_wait3A_74 = tpu.memref_slice %arg6[%add3A_68, %dma_wait3A_73] : memref<1605632x128xf32, #tpu.memory_space<hbm>> -> memref<112x128xf32, #tpu.memory_space<hbm>>
    %dma_wait3A_75 = arith.constant 0 : i32
    %dma_wait3A_76 = tpu.memref_slice %arg6[%add3A_68, %dma_wait3A_75] : memref<1605632x128xf32, #tpu.memory_space<hbm>> -> memref<112x128xf32, #tpu.memory_space<hbm>>
    %dma_wait3A_77 = arith.constant 0 : i32
    %dma_wait3A_78 = arith.constant 0 : i32
    %dma_wait3A_79 = tpu.memref_slice %arg11[%dma_wait3A, %dma_wait3A_77, %dma_wait3A_78] : memref<2x112x128xf32, #tpu.memory_space<vmem>> -> memref<1x112x128xf32, #tpu.memory_space<vmem>>
    %dma_wait3A_80 = tpu.memref_squeeze %dma_wait3A_79 : memref<1x112x128xf32, #tpu.memory_space<vmem>> -> memref<112x128xf32, #tpu.memory_space<vmem>>
    tpu.wait_dma2 semaphore(%arg16 : memref<!tpu.dma_semaphore, #tpu.memory_space<semaphore_mem>>) src(%dma_wait3A_80 : memref<112x128xf32, #tpu.memory_space<vmem>>) dst(%dma_wait3A_76 : memref<112x128xf32, #tpu.memory_space<hbm>>)
    %add3A_81 = arith.constant 50064 : i32
    %add3A_82 = arith.addi %mul3A_2, %add3A_81 : i32
    %dma_wait3A_83 = arith.constant 1 : i32
    %dma_wait3A_84 = arith.constant 0 : i32
    %dma_wait3A_85 = arith.constant 0 : i32
    %dma_wait3A_86 = tpu.memref_slice %arg11[%dma_wait3A_83, %dma_wait3A_84, %dma_wait3A_85] : memref<2x112x128xf32, #tpu.memory_space<vmem>> -> memref<1x112x128xf32, #tpu.memory_space<vmem>>
    %dma_wait3A_87 = tpu.memref_squeeze %dma_wait3A_86 : memref<1x112x128xf32, #tpu.memory_space<vmem>> -> memref<112x128xf32, #tpu.memory_space<vmem>>
    %dma_wait3A_88 = arith.constant 0 : i32
    %dma_wait3A_89 = tpu.memref_slice %arg6[%add3A_82, %dma_wait3A_88] : memref<1605632x128xf32, #tpu.memory_space<hbm>> -> memref<112x128xf32, #tpu.memory_space<hbm>>
    %dma_wait3A_90 = arith.constant 0 : i32
    %dma_wait3A_91 = tpu.memref_slice %arg6[%add3A_82, %dma_wait3A_90] : memref<1605632x128xf32, #tpu.memory_space<hbm>> -> memref<112x128xf32, #tpu.memory_space<hbm>>
    %dma_wait3A_92 = arith.constant 0 : i32
    %dma_wait3A_93 = arith.constant 0 : i32
    %dma_wait3A_94 = tpu.memref_slice %arg11[%dma_wait3A_83, %dma_wait3A_92, %dma_wait3A_93] : memref<2x112x128xf32, #tpu.memory_space<vmem>> -> memref<1x112x128xf32, #tpu.memory_space<vmem>>
    %dma_wait3A_95 = tpu.memref_squeeze %dma_wait3A_94 : memref<1x112x128xf32, #tpu.memory_space<vmem>> -> memref<112x128xf32, #tpu.memory_space<vmem>>
    tpu.wait_dma2 semaphore(%arg17 : memref<!tpu.dma_semaphore, #tpu.memory_space<semaphore_mem>>) src(%dma_wait3A_95 : memref<112x128xf32, #tpu.memory_space<vmem>>) dst(%dma_wait3A_91 : memref<112x128xf32, #tpu.memory_space<hbm>>)
    return
  }
}

</mosaic_0001>

<sc_bundles>
// kernel: sc_gather_pre.3.cloned.1.call-start
scs
__scs_entry_jumppad:
0x0: {  	(pc) =	sbr.rel $0x88, $3  }
0x1: {  	(tag) =	ssettag $0x0;
	lr =	simm.s32 $0x1  }
0x2: {  	[smem:$0x3F9D] =	sst lr;
	_ =	strace $0xD0000000  }
0x3: {  	_ = 	snop  }
0x4: {  	_ = 	snop  }
0x5: {  	_ = 	snop  }
0x6: {  	_ = 	snop  }
0x7: {  	_ = 	snop  }
__scs_overlays_trampoline_lowered:
0x8: {  	[smem:$0x3FAC] =	sst s0  }
0x9: {  	[smem:$0x3FAD] =	sst s1  }
0xa: {  	[smem:$0x3FAE] =	sst s2  }
0xb: {  	[smem:$0x3FAF] =	sst s3  }
0xc: {  	[smem:$0x3FB0] =	sst s4  }
0xd: {  	[smem:$0x3FB1] =	sst s5  }
0xe: {  	[smem:$0x3FB2] =	sst s6  }
0xf: {  	[smem:$0x3FB3] =	sst s7  }
0x10: {  	[smem:$0x3FB4] =	sst s8  }
0x11: {  	[smem:$0x3FB5] =	sst s9;
	s0 =	simm.s32 @!p0 $0x0  }
0x12: {  	s1 =	sld [smem:$0x3F9B];
	s0 =	simm.s32 @p0 $0x1  }
0x13: {  	[smem:$0x3FB6] =	sst s0;
	s0 =	simm.s32 @!p1 $0x0  }
0x14: {  	s2 =	sld [smem:$0x3F9A];
	s0 =	simm.s32 @p1 $0x1  }
0x15: {  	[smem:$0x3FB7] =	sst s0;
	s0 =	simm.s32 @!p2 $0x0  }
0x16: {  	s3 =	sld [smem:$0x3FDB];
	s0 =	simm.s32 @p2 $0x1  }
0x17: {  	s4 =	simm.s32 $0x1BF5;
	[smem:$0x3FB9] =	sst s0  }
0x18: {  	s0 =	sld [smem:$0x3F9C];
	_ =	swait.ge [sflag:s4], $0x0  }
0x19: {  	s7 =	sld [smem:$0x3F9D]  }
0x1a: {  	s8 =	sadd.s32 $0xFFFFE003, lr  }
0x1b: {  	s9 =	sadd.s32 $0xFFFFFEF7, lr;
	s5 =	simm.s32 $0xFFFFFFFF;
	p2 =	slt.u32 s8, $0xFFFFF086  }
0x1c: {  	p1 =	slt.u32 s9, $0xF7A;
	s5 =	simm.s32 @!p2 $0x0  }
0x1d: {  	s5 =	simm.s32 @p1 $0x1;
	p0 =	seq.s32 s7, s2  }
0x1e: {  	s7 =	smul.u32 @!p0 $0xF7A, s2;
	p2 =	seq.s32 @!p0 s5, $0x0  }
0x1f: {  	s9 =	smul.u32 $0xF7A, s1;
	s8 =	simm.s32 @!p0 $0x1BF5;
	p2 =	por !p2, p0  }
0x20: {  	[sflag:s8] =	ssyncset.s32 @!p0 $0xFFFFF086;
	s6 =	sadd.s32 @!p0 s3, s7;
	s7 =	simm.s32 @!p0 $0x108  }
0x21: {  	s3 =	sadd.s32 s3, s9;
	s6 =	sadd.s32 @!p0 $0x88, s6;
	s7 =	simm.s32 @p2 $0x1082  }
0x22: {  	[simem:s7], [sflag:s8] =	dma.local @!p0 [hbm:s6], $0xF7A  }
0x23: {  	s9 =	sor.u32 $0xD0000000, s2;
	s6 =	simm.s32 $0x108;
	_ =	swait.ge @!p0 [sflag:s8], $0x0  }
0x24: {  	s3 =	sadd.s32 $0x88, s3;
	s6 =	simm.s32 @!p1 $0x1082;
	[sflag:s4] =	ssyncset.s32 $0xFFFFF086  }
0x25: {  	[simem:s6], [sflag:s4] =	dma.local [hbm:s3], $0xF7A  }
0x26: {  	[smem:$0x3F9D] =	sst s1;
	(tag) =	ssettag s2;
	_ =	strace s9  }
0x27: {  	s1 =	sld [smem:$0x3FAD]  }
0x28: {  	s2 =	sld [smem:$0x3FAE]  }
0x29: {  	s4 =	sld [smem:$0x3FB0]  }
0x2a: {  	p0 =	seq.s32 s5, $0x0;
	s5 =	sld [smem:$0x3FB1]  }
0x2b: {  	s6 =	sld [smem:$0x3FB2]  }
0x2c: {  	s7 =	sld [smem:$0x3FB3]  }
0x2d: {  	s3 =	simm.s32 $0x108;
	s8 =	sld [smem:$0x3FB4]  }
0x2e: {  	s3 =	simm.s32 @!p0 $0x1082;
	s9 =	sld [smem:$0x3FB5]  }
0x2f: {  	lr =	sadd.s32 s0, s3;
	s0 =	sld [smem:$0x3FAC]  }
0x30: {  	s3 =	sld [smem:$0x3FAF]  }
0x31: {  	[smem:$0x3FB8] =	sst s10  }
0x32: {  	s10 =	sld [smem:$0x3FB6];
	_ =	sdelay $0x3  }
0x33: {  	p0 =	seq.s32 s10, $0x1;
	s10 =	sld [smem:$0x3FB8];
	_ =	sdelay $0x3  }
0x34: {  	[smem:$0x3FB8] =	sst s10  }
0x35: {  	s10 =	sld [smem:$0x3FB7];
	_ =	sdelay $0x3  }
0x36: {  	p1 =	seq.s32 s10, $0x1;
	s10 =	sld [smem:$0x3FB8];
	_ =	sdelay $0x3  }
0x37: {  	[smem:$0x3FB8] =	sst s10  }
0x38: {  	s10 =	sld [smem:$0x3FB9]  }
0x39: {  	_ = 	snop;
	(pc) =	sbr.ind lr, $3  }
0x3a: {  	_ = 	snop  }
0x3b: {  	_ = 	snop  }
0x3c: {  	p2 =	seq.s32 s10, $0x1;
	s10 =	sld [smem:$0x3FB8]  }
0x3d: {  	_ =	shalt  }
0x3e: {  	_ =	shalt  }
0x3f: {  	_ =	shalt  }
0x40: {  	_ =	shalt  }
0x41: {  	_ =	shalt  }
0x42: {  	_ =	shalt  }
0x43: {  	_ =	shalt  }
0x44: {  	_ =	shalt  }
0x45: {  	_ =	shalt  }
0x46: {  	_ =	shalt  }
0x47: {  	_ =	shalt  }
0x48: {  	_ =	shalt  }
0x49: {  	_ =	shalt  }
0x4a: {  	_ =	shalt  }
0x4b: {  	_ =	shalt  }
0x4c: {  	_ =	shalt  }
0x4d: {  	_ =	shalt  }
0x4e: {  	_ =	shalt  }
0x4f: {  	_ =	shalt  }
0x50: {  	_ =	shalt  }
0x51: {  	_ =	shalt  }
0x52: {  	_ =	shalt  }
0x53: {  	_ =	shalt  }
0x54: {  	_ =	shalt  }
0x55: {  	_ =	shalt  }
0x56: {  	_ =	shalt  }
0x57: {  	_ =	shalt  }
0x58: {  	_ =	shalt  }
0x59: {  	_ =	shalt  }
0x5a: {  	_ =	shalt  }
0x5b: {  	_ =	shalt  }
0x5c: {  	_ =	shalt  }
0x5d: {  	_ =	shalt  }
0x5e: {  	_ =	shalt  }
0x5f: {  	_ =	shalt  }
0x60: {  	_ =	shalt  }
0x61: {  	_ =	shalt  }
0x62: {  	_ =	shalt  }
0x63: {  	_ =	shalt  }
0x64: {  	_ =	shalt  }
0x65: {  	_ =	shalt  }
0x66: {  	_ =	shalt  }
0x67: {  	_ =	shalt  }
0x68: {  	_ =	shalt  }
0x69: {  	_ =	shalt  }
0x6a: {  	_ =	shalt  }
0x6b: {  	_ =	shalt  }
0x6c: {  	_ =	shalt  }
0x6d: {  	_ =	shalt  }
0x6e: {  	_ =	shalt  }
0x6f: {  	_ =	shalt  }
0x70: {  	_ =	shalt  }
0x71: {  	_ =	shalt  }
0x72: {  	_ =	shalt  }
0x73: {  	_ =	shalt  }
0x74: {  	_ =	shalt  }
0x75: {  	_ =	shalt  }
0x76: {  	_ =	shalt  }
0x77: {  	_ =	shalt  }
0x78: {  	_ =	shalt  }
0x79: {  	_ =	shalt  }
0x7a: {  	_ =	shalt  }
0x7b: {  	_ =	shalt  }
0x7c: {  	_ =	shalt  }
0x7d: {  	_ =	shalt  }
0x7e: {  	_ =	shalt  }
0x7f: {  	_ =	shalt  }
0x80: {  	_ =	shalt  }
0x81: {  	_ =	shalt  }
0x82: {  	_ =	shalt  }
0x83: {  	_ =	shalt  }
0x84: {  	_ =	shalt  }
0x85: {  	_ =	shalt  }
0x86: {  	_ =	shalt  }
0x87: {  	_ =	shalt  }
.Lfunc_end0:
.L_simem_size_0:
called_computation_lowered:
.L_overlay_start_0:
0x88: {  	s2 =	sld [smem:$0x3FD9]  }
0x89: {  	s3 =	sld [smem:$0x3FFE];
	_ =	sdelay $0x1  }
0x8a: {  	s1 =	srdreg.scid  }
0x8b: {  	s0 =	sand.u32 $0x1, s1  }
0x8c: {  	s18 =	sshll.u32 s0, $0xA;
	s2 =	sadd.s32 s3, s2  }
0x8d: {  	s2 =	sadd.s32 s2, s18  }
0x8e: {  	[smem:$0x3FC4] =	sst s2  }
0x8f: {  	_ = 	snop  }
0x90: {  	s2 =	sld [smem:$0x3FC9]  }
0x91: {  	s19 =	sld [smem:$0x3FC8]  }
0x92: {  	s4 =	sld [smem:$0x3FC7]  }
0x93: {  	s5 =	sld [smem:$0x3FC6]  }
0x94: {  	s6 =	sld [smem:$0x3FD0];
	(tm) =	ssettm $0x1  }
0x95: {  	s7 =	sld [smem:$0x3FFB];
	_ =	sdelay $0x3  }
0x96: {  	_ =	strace s7  }
0x97: {  	s7 =	sld [smem:$0x3FFC];
	_ =	sdelay $0x3  }
0x98: {  	_ =	strace s7  }
0x99: {  	s7 =	sld [smem:$0x3FFD];
	_ =	sdelay $0x3  }
0x9a: {  	_ =	strace s7  }
0x9b: {  	_ =	strace $0x8FFFFFFF  }
0x9c: {  	s20 =	sld [smem:$0x3FDB];
	_ =	sdelay $0x1  }
0x9d: {  	s8 =	simm.s32 $_scs_section_size  }
0x9e: {  	s9 =	simm.s32 $_size__tile_overlayer_lowered;
	s10 =	simm.s32 $_tile_overlayer_lowered  }
0x9f: {  	s23 =	simm.s32 $0x1BFF;
	s22 =	sshll.u32 s10, $0x1;
	s7 =	sadd.s32 s8, s20  }
0xa0: {  	s11 =	simm.s32 $0x0;
	s21 =	sshll.u32 s9, $0x1;
	s9 =	sadd.s32 s22, s7  }
0xa1: {  	[timem:s11], [sflag:s23] =	dma.local [hbm:s9], s21  }
0xa2: {  	_ =	swait.ge [sflag:s23], s21  }
0xa3: {  	s8 =	ssub.s32 $0x0, s21;
	[sflag:s23] =	ssyncset.done $0x0  }
0xa4: {  	[sflag:s23] =	ssyncadd.s32 s8;
	_ =	sdelay $0x1  }
0xa5: {  	s24 =	simm.s32 $0x1B8B  }
0xa6: {  	_ =	swait.ge [sflag:s24], $0x1  }
0xa7: {  	[sflag:s24] =	ssyncset.done $0x0  }
0xa8: {  	s25 =	simm.s32 $0x1B8E;
	[sflag:s24] =	ssyncadd.s32 $0xFFFFFFFF  }
0xa9: {  	s26 =	simm.s32 $execute0_lowered;
	[smem:$0x3FD2] =	sst s25  }
0xaa: {  	s8 =	sshll.u32 s26, $0x1;
	_ =	strace $0x80000046;
	[dreg:$0x1] =	wrdreg $0xFFFFFFFF  }
0xab: {  	s28 =	simm.s32 $_size_execute0_lowered;
	s7 =	sadd.s32 s7, s8;
	[dreg:$0x0] =	wrdreg $0x0  }
0xac: {  	s8 =	sshll.u32 s28, $0x1;
	[dreg:$0x2] =	wrdreg s7  }
0xad: {  	[dreg:$0x3] =	wrdreg s8  }
0xae: {  	[dreg:$0x4] =	wrdreg $0xC0  }
0xaf: {  	_ =	task [dreg:s11], $0x5FFFF  }
0xb0: {  	[dreg:$0x1] =	wrdreg $0xFFFFFFFF  }
0xb1: {  	[dreg:$0x0] =	wrdreg $0x60  }
0xb2: {  	[dreg:$0x2] =	wrdreg s2  }
0xb3: {  	[dreg:$0x3] =	wrdreg s19  }
0xb4: {  	[dreg:$0x4] =	wrdreg s4  }
0xb5: {  	[dreg:$0x5] =	wrdreg s5  }
0xb6: {  	[dreg:$0x6] =	wrdreg s6  }
0xb7: {  	[dreg:$0x7] =	wrdreg $0x9  }
0xb8: {  	_ =	task.clear_ibuf [dreg:s11], $0x8FFFF;
	_ =	strace $0x90000046  }
0xb9: {  	s29 =	simm.s32 $0x9;
	_ =	strace $0x80000048  }
0xba: {  	_ =	swait.ge [sflag:s29], $0x1  }
0xbb: {  	[sflag:s29] =	ssyncadd.s32 $0xFFFFFFFF  }
0xbc: {  	_ =	strace $0x90000048  }
0xbd: {  	_ =	sfence  }
0xbe: {  	s30 =	sld [smem:$0x0];
	_ =	sdelay $0x2  }
0xbf: {  	s31 =	sshll.u32 s1, $0xD;
	s1 =	sshrl.u32 s1, $0x2  }
0xc0: {  	s3 =	sand.u32 $0x4000, s31;
	s1 =	sadd.s32 s1, s30  }
0xc1: {  	s0 =	sor.u32 s3, s0;
	s1 =	sshll.u32 s1, $0x11  }
0xc2: {  	s0 =	sor.u32 s1, s0  }
0xc3: {  	s0 =	sadd.s32 $0x8F2B, s0  }
0xc4: {  	[sflag:s0] =	ssyncadd.remote.s32 $0x1  }
0xc5: {  	_ =	sfence.sel $0xFFFF  }
0xc6: {  	[dreg:$0x0] =	wrdreg $0xFFFFFFFF;
	(pc) =	sbr.abs _section_cstart, $3  }
0xc7: {  	[dreg:$0x1] =	wrdreg $0xFFFFFFFF  }
0xc8: {  	_ =	task.clear_ibuf [dreg:s11], $0x2FFFF;
	_ =	strace $0x9FFFFFFF  }
0xc9: {  	(tm) =	ssettm $0x7FFFFFFF  }
tec
execute0_lowered:
.L_overlay_start_1:
0x0: {  	(tag) =	ssettag $0x1  }
0x1: {  	s0 =	rddreg [dreg:$0x0]  }
0x2: {  	s2 =	rddreg [dreg:$0x1]  }
0x3: {  	s3 =	rddreg [dreg:$0x2]  }
0x4: {  	s5 =	rddreg [dreg:$0x3]  }
0x5: {  	s1 =	srdreg.scid;
	s4 =	stileid.u32  }
0x6: {  	s6 =	rddreg [dreg:$0x4];
	s7 =	simm.s32 $0x0;
	s17 =	simm.s32 $0x7  }
0x7: {  	s19 =	simm.s32 $0x70;
	s22 =	simm.s32 $0x80;
	s28 =	simm.s32 $0x3  }
0x8: {  	s29 =	simm.s32 $0xE200;
	s30 =	simm.s32 $0x2;
	s31 =	simm.s32 $0x4  }
0x9: {  	s20 =	simm.s32 $0x6;
	s1 =	sand.u32 $0x1, s1;
	s4 =	sshll.u32 s4, $0x1  }
0xa: {  	s21 =	simm.s32 $0x0;
	s4 =	sor.u32 s1, s4;
	s1 =	ssub.s32 $0x2, s1  }
0xb: {  	[smem:$0x7FF] =	sst s7;
	s8 =	smul.u32 $0xC400, s4;
	s23 =	sshrl.u32 s1, $0x1  }
0xc: {  	_ =	strace $0x80000047;
	s1 =	ssub.s32 s1, s23;
	s23 =	simm.s32 $0x180  }
0xd: {  	s24 =	sshrl.u32 s8, $0x3;
	s13 =	sor.u32 $0xE0, s8;
	s14 =	sor.u32 $0x70, s8  }
0xe: {  	s15 =	sor.u32 $0x150, s8;
	s1 =	smax.u32 s1, $0x1;
	s9 =	sadd.s32 s3, s24  }
.Ltmp0:
0xf: {  	s25 =	sadd.s32 s5, s24;
	[dreg:$0xa] =	wrdreg s1;
	(pc) =	sbr.rel .LBB2_1-.Ltmp0, $4  }
0x10: {  	s4 =	sor.u32 $0xE, s24;
	s24 =	simm.s32 $0x3A00;
	[dreg:$0x6] =	wrdreg s9  }
0x11: {  	s1 =	simm.s32 $0x5;
	[dreg:$0x7] =	wrdreg s25;
	s26 =	sadd.s32 s3, s4  }
0x12: {  	s4 =	sadd.s32 s5, s4;
	s25 =	simm.s32 $0xAA00;
	[dreg:$0x8] =	wrdreg s26  }
0x13: {  	[dreg:$0x9] =	wrdreg s4;
	s26 =	simm.s32 $0x1;
	s4 =	simm.s32 $0x11A00  }
.LBB2_8:
0x14: {  	_ =	swait.ge [sflag:s1], $0x3800  }
0x15: {  	[sflag:s1] =	ssyncset.done $0x0  }
0x16: {  	[sflag:s1] =	ssyncadd.s32 $0xFFFFC800  }
0x17: {  	_ =	swait.ge [sflag:s20], $0x3800  }
0x18: {  	s21 =	sadd.s32 $0x1, s21;
	s9 =	rddreg [dreg:$0xa]  }
0x19: {  	p0 =	sne.s32 s21, s9  }
.Ltmp1:
0x1a: {  	_ = 	snop;
	(pc) =	sbr.rel @!p0 .LBB2_9-.Ltmp1, $3  }
0x1b: {  	_ =	sdelay $0x1  }
0x1c: {  	[sflag:s20] =	ssyncset.done $0x0  }
0x1d: {  	[sflag:s20] =	ssyncadd.s32 $0xFFFFC800  }
.LBB2_1:
0x1e: {  	s9 =	rddreg [dreg:$0x6]  }
0x1f: {  	[tilespmem:s7], [sflag:$0x7] =	stream.linear.gather [hbm4b:s9+s7], $0x70, $0x38;
	[tilespmem:$0x15200] =	vst v63  }
0x20: {  	_ =	swait.ge [sflag:s17], $0x70  }
0x21: {  	[sflag:s17] =	ssyncset.done $0x0  }
0x22: {  	s10 =	simm.s32 $0x100;
	s18 =	rddreg [dreg:$0x7];
	[sflag:s17] =	ssyncadd.s32 $0xFFFFFF90  }
0x23: {  	[tilespmem:s10], [sflag:$0x7] =	stream.linear.gather [hbm4b:s18+s7], $0x70, $0x38;
	[tilespmem:$0x15200] =	vst v63  }
0x24: {  	_ =	swait.ge [sflag:s17], $0x70  }
0x25: {  	[sflag:s17] =	ssyncset.done $0x0  }
0x26: {  	s11 =	simm.s32 $0x200;
	[sflag:s17] =	ssyncadd.s32 $0xFFFFFF90  }
0x27: {  	[tilespmem:s11], [sflag:$0x1] =	stream.indirect.gather [hbm4b:s0+s19], $0x80, s7, s19, $0xb8;
	[tilespmem:$0x15200] =	vst v63  }
0x28: {  	s12 =	simm.s32 $0x7200  }
0x29: {  	[tilespmem:s12], [sflag:$0x3] =	stream.indirect.gather [hbm4b:s2+s19], $0x80, s10, s19, $0xb8;
	[tilespmem:$0x15200] =	vst v63  }
0x2a: {  	s16 =	rddreg [dreg:$0x8]  }
0x2b: {  	[tilespmem:s22], [sflag:$0x7] =	stream.linear.gather [hbm4b:s16+s7], $0x70, $0x38;
	[tilespmem:$0x15200] =	vst v63  }
0x2c: {  	_ =	swait.ge [sflag:s17], $0x70  }
0x2d: {  	[sflag:s17] =	ssyncset.done $0x0  }
0x2e: {  	s18 =	rddreg [dreg:$0x9];
	[sflag:s17] =	ssyncadd.s32 $0xFFFFFF90  }
0x2f: {  	[tilespmem:s23], [sflag:$0x7] =	stream.linear.gather [hbm4b:s18+s7], $0x70, $0x38;
	[tilespmem:$0x15200] =	vst v63  }
0x30: {  	_ =	swait.ge [sflag:s17], $0x70  }
0x31: {  	[sflag:s17] =	ssyncset.done $0x0  }
0x32: {  	[sflag:s17] =	ssyncadd.s32 $0xFFFFFF90  }
0x33: {  	[tilespmem:s24], [sflag:$0x2] =	stream.indirect.gather [hbm4b:s0+s19], $0x80, s22, s19, $0xb8;
	[tilespmem:$0x15200] =	vst v63  }
0x34: {  	s9 =	simm.s32 $0x0  }
0x35: {  	[tilespmem:s25], [sflag:$0x4] =	stream.indirect.gather [hbm4b:s2+s19], $0x80, s23, s19, $0xb8;
	[tilespmem:$0x15200] =	vst v63  }
.LBB2_2:
0x36: {  	_ =	swait.ge [sflag:s26], $0x3800  }
0x37: {  	[sflag:s26] =	ssyncset.done $0x0  }
0x38: {  	[sflag:s26] =	ssyncadd.s32 $0xFFFFC800  }
0x39: {  	_ =	swait.ge [sflag:s28], $0x3800  }
0x3a: {  	p0 =	seq.s32 s9, $0x0;
	[sflag:s28] =	ssyncset.done $0x0  }
0x3b: {  	s10 =	simm.s32 @!p0 $0x5;
	[sflag:s28] =	ssyncadd.s32 $0xFFFFC800  }
0x3c: {  	_ =	swait.ge @!p0 [sflag:s10], $0x3800  }
0x3d: {  	[sflag:s10] =	ssyncset.done @!p0 $0x0  }
0x3e: {  	[sflag:s10] =	ssyncadd.s32 @!p0 $0xFFFFC800;
	s10 =	simm.s32 $0x0  }
0x3f: {  	v0 =	vld [tilespmem:s10+$0x270]  }
0x40: {  	v1 =	vld [tilespmem:s10+$0x7270]  }
0x41: {  	v2 =	vld [tilespmem:s10+$0x200]  }
0x42: {  	v3 =	vld [tilespmem:s10+$0x7200]  }
0x43: {  	v4 =	vld [tilespmem:s10+$0x210]  }
0x44: {  	v5 =	vld [tilespmem:s10+$0x7210]  }
0x45: {  	v6 =	vld [tilespmem:s10+$0x220]  }
0x46: {  	v7 =	vld [tilespmem:s10+$0x230]  }
0x47: {  	v0 =	vadd.f32 v1, v0;
	v1 =	vld [tilespmem:s10+$0x7220]  }
0x48: {  	v8 =	vld [tilespmem:s10+$0x7230]  }
0x49: {  	v9 =	vld [tilespmem:s10+$0x7240];
	v2 =	vadd.f32 v3, v2  }
0x4a: {  	[tilespmem:s10+$0xE270] =	vst v0;
	v0 =	vadd.f32 v5, v4;
	v5 =	vld [tilespmem:s10+$0x240]  }
0x4b: {  	v3 =	vld [tilespmem:s10+$0x7250];
	[tilespmem:s10+$0xE200] =	vst v2  }
0x4c: {  	v2 =	vld [tilespmem:s10+$0x250];
	[tilespmem:s10+$0xE210] =	vst v0;
	v0 =	vadd.f32 v1, v6  }
0x4d: {  	v4 =	vld [tilespmem:s10+$0x7260];
	v6 =	vadd.f32 v8, v7  }
0x4e: {  	s11 =	simm.s32 $0x80;
	[tilespmem:s10+$0xE220] =	vst v0;
	v0 =	vld [tilespmem:s10+$0x260]  }
0x4f: {  	s18 =	simm.s32 $0x400;
	v5 =	vadd.f32 v9, v5;
	v1 =	vld [tilespmem:s11+$0x270];
	[tilespmem:s10+$0xE230] =	vst v6  }
.LBB2_3:
0x50: {  	p1 =	sne.s32 s18, $0xDE00;
	v6 =	vld [tilespmem:s11+$0x7270]  }
0x51: {  	v7 =	vld [tilespmem:s11+$0x200];
	[tilespmem:s10+$0xE240] =	vst v5;
	v2 =	vadd.f32 v3, v2  }
0x52: {  	v3 =	vld [tilespmem:s11+$0x7200]  }
0x53: {  	v5 =	vld [tilespmem:s11+$0x210];
	[tilespmem:s10+$0xE250] =	vst v2;
	v0 =	vadd.f32 v4, v0  }
0x54: {  	v2 =	vld [tilespmem:s11+$0x7210]  }
0x55: {  	v4 =	vld [tilespmem:s11+$0x220];
	v1 =	vadd.f32 v6, v1;
	[tilespmem:s10+$0xE260] =	vst v0;
	s10 =	smov.u32 s11  }
0x56: {  	v0 =	vld [tilespmem:s10+$0x7220]  }
0x57: {  	v3 =	vadd.f32 v3, v7;
	v6 =	vld [tilespmem:s10+$0x230];
	[tilespmem:s10+$0xE270] =	vst v1  }
0x58: {  	v1 =	vld [tilespmem:s10+$0x7230]  }
0x59: {  	[tilespmem:s10+$0xE200] =	vst v3;
	v2 =	vadd.f32 v2, v5;
	v5 =	vld [tilespmem:s10+$0x240]  }
0x5a: {  	v7 =	vld [tilespmem:s10+$0x7240]  }
.Ltmp2:
0x5b: {  	[tilespmem:s10+$0xE210] =	vst v2;
	v0 =	vadd.f32 v0, v4;
	v2 =	vld [tilespmem:s10+$0x250];
	(pc) =	sbr.rel @p1 .LBB2_3-.Ltmp2, $4  }
0x5c: {  	v3 =	vld [tilespmem:s10+$0x7250]  }
0x5d: {  	[tilespmem:s10+$0xE220] =	vst v0;
	v6 =	vadd.f32 v1, v6;
	v0 =	vld [tilespmem:s10+$0x260]  }
0x5e: {  	s11 =	sshra.s32 s18, $0x2;
	v4 =	vld [tilespmem:s10+$0x7260]  }
0x5f: {  	s18 =	sadd.s32 $0x200, s18;
	v1 =	vld [tilespmem:s11+$0x270];
	[tilespmem:s10+$0xE230] =	vst v6;
	v5 =	vadd.f32 v7, v5  }
0x60: {  	v6 =	vld [tilespmem:s11+$0x7270]  }
0x61: {  	v7 =	vld [tilespmem:s11+$0x200];
	[tilespmem:s10+$0xE240] =	vst v5;
	v2 =	vadd.f32 v3, v2  }
0x62: {  	v3 =	vld [tilespmem:s11+$0x7200]  }
0x63: {  	v5 =	vld [tilespmem:s11+$0x210];
	[tilespmem:s10+$0xE250] =	vst v2;
	v0 =	vadd.f32 v4, v0  }
0x64: {  	v2 =	vld [tilespmem:s11+$0x7210]  }
0x65: {  	v4 =	vld [tilespmem:s11+$0x220];
	[tilespmem:s10+$0xE260] =	vst v0  }
0x66: {  	v0 =	vadd.f32 v6, v1;
	v1 =	vld [tilespmem:s11+$0x7220]  }
0x67: {  	v6 =	vld [tilespmem:s11+$0x230]  }
0x68: {  	v3 =	vadd.f32 v3, v7;
	[tilespmem:s11+$0xE270] =	vst v0;
	v0 =	vld [tilespmem:s11+$0x7230]  }
0x69: {  	v7 =	vld [tilespmem:s11+$0x7260]  }
0x6a: {  	[tilespmem:s11+$0xE200] =	vst v3;
	v2 =	vadd.f32 v2, v5;
	v3 =	vld [tilespmem:s11+$0x240]  }
0x6b: {  	v5 =	vld [tilespmem:s11+$0x7240]  }
0x6c: {  	[tilespmem:s11+$0xE210] =	vst v2;
	v1 =	vadd.f32 v1, v4;
	v2 =	vld [tilespmem:s11+$0x250]  }
0x6d: {  	v4 =	vld [tilespmem:s11+$0x7250]  }
0x6e: {  	[tilespmem:s11+$0xE220] =	vst v1;
	v1 =	vld [tilespmem:s11+$0x260];
	_ =	sdelay $0x1  }
0x6f: {  	v0 =	vadd.f32 v0, v6  }
0x70: {  	s10 =	smul.u32 $0xE0, s9;
	v3 =	vadd.f32 v5, v3  }
0x71: {  	[tilespmem:s11+$0xE230] =	vst v0;
	v0 =	vadd.f32 v4, v2  }
0x72: {  	s12 =	sadd.s32 s8, s10;
	[tilespmem:s11+$0xE240] =	vst v3;
	v1 =	vadd.f32 v7, v1  }
0x73: {  	p1 =	seq.s32 s9, $0xDF;
	s12 =	sshll.u32 s12, $0x4;
	[tilespmem:s11+$0xE250] =	vst v0  }
0x74: {  	s18 =	sadd.s32 s6, s12;
	[tilespmem:s11+$0xE260] =	vst v1;
	s11 =	sadd.s32 @!p1 s10, s13  }
0x75: {  	[hbm4b:s18+s7] =	stream.linear.scatter [tilespmem:s29], [sflag:$0x5], $0x3800, $0x38;
	[tilespmem:$0x15200] =	vst v63  }
0x76: {  	s11 =	sshrl.u32 @!p1 s11, $0x3  }
0x77: {  	s18 =	simm.s32 @!p1 $0x0;
	s12 =	sadd.s32 @!p1 s3, s11  }
0x78: {  	[tilespmem:s18], [sflag:$0x7] =	stream.linear.gather @!p1 [hbm4b:s12+s18], $0x70, $0x38;
	[tilespmem:$0x15200] =	vst v63  }
0x79: {  	s12 =	simm.s32 @!p1 $0x7  }
0x7a: {  	_ =	swait.ge @!p1 [sflag:s12], $0x70  }
0x7b: {  	[sflag:s12] =	ssyncset.done @!p1 $0x0  }
0x7c: {  	s16 =	simm.s32 @!p1 $0x100;
	s11 =	sadd.s32 @!p1 s5, s11;
	[sflag:s12] =	ssyncadd.s32 @!p1 $0xFFFFFF90  }
0x7d: {  	[tilespmem:s16], [sflag:$0x7] =	stream.linear.gather @!p1 [hbm4b:s11+s18], $0x70, $0x38;
	[tilespmem:$0x15200] =	vst v63  }
0x7e: {  	_ =	swait.ge @!p1 [sflag:s12], $0x70  }
0x7f: {  	[sflag:s12] =	ssyncset.done @!p1 $0x0  }
0x80: {  	s11 =	simm.s32 @!p1 $0x70;
	[sflag:s12] =	ssyncadd.s32 @!p1 $0xFFFFFF90;
	s12 =	simm.s32 @!p1 $0x200  }
0x81: {  	[tilespmem:s12], [sflag:$0x1] =	stream.indirect.gather @!p1 [hbm4b:s0+s11], $0x80, s18, s11, $0xb8;
	[tilespmem:$0x15200] =	vst v63  }
0x82: {  	s12 =	simm.s32 @!p1 $0x7200  }
0x83: {  	[tilespmem:s12], [sflag:$0x3] =	stream.indirect.gather @!p1 [hbm4b:s2+s11], $0x80, s16, s11, $0xb8;
	[tilespmem:$0x15200] =	vst v63  }
0x84: {  	_ =	swait.ge [sflag:s30], $0x3800  }
0x85: {  	[sflag:s30] =	ssyncset.done $0x0  }
0x86: {  	[sflag:s30] =	ssyncadd.s32 $0xFFFFC800  }
0x87: {  	_ =	swait.ge [sflag:s31], $0x3800  }
0x88: {  	[sflag:s31] =	ssyncset.done $0x0  }
0x89: {  	s11 =	simm.s32 @!p0 $0x6;
	[sflag:s31] =	ssyncadd.s32 $0xFFFFC800  }
0x8a: {  	_ =	swait.ge @!p0 [sflag:s11], $0x3800  }
0x8b: {  	[sflag:s11] =	ssyncset.done @!p0 $0x0  }
0x8c: {  	[sflag:s11] =	ssyncadd.s32 @!p0 $0xFFFFC800;
	s11 =	simm.s32 $0x0  }
0x8d: {  	v0 =	vld [tilespmem:s11+$0x3A70]  }
0x8e: {  	v1 =	vld [tilespmem:s11+$0xAA70]  }
0x8f: {  	v2 =	vld [tilespmem:s11+$0x3A00]  }
0x90: {  	v3 =	vld [tilespmem:s11+$0xAA00]  }
0x91: {  	v4 =	vld [tilespmem:s11+$0x3A10]  }
0x92: {  	v5 =	vld [tilespmem:s11+$0xAA10]  }
0x93: {  	v6 =	vld [tilespmem:s11+$0x3A20]  }
0x94: {  	v7 =	vld [tilespmem:s11+$0x3A30]  }
0x95: {  	v0 =	vadd.f32 v1, v0;
	v1 =	vld [tilespmem:s11+$0xAA20]  }
0x96: {  	v8 =	vld [tilespmem:s11+$0xAA30]  }
0x97: {  	v9 =	vld [tilespmem:s11+$0xAA40];
	v2 =	vadd.f32 v3, v2  }
0x98: {  	[tilespmem:s11+$0x11A70] =	vst v0;
	v0 =	vadd.f32 v5, v4;
	v5 =	vld [tilespmem:s11+$0x3A40]  }
0x99: {  	v3 =	vld [tilespmem:s11+$0xAA50];
	[tilespmem:s11+$0x11A00] =	vst v2  }
0x9a: {  	v2 =	vld [tilespmem:s11+$0x3A50];
	[tilespmem:s11+$0x11A10] =	vst v0;
	v0 =	vadd.f32 v1, v6  }
0x9b: {  	v4 =	vld [tilespmem:s11+$0xAA60];
	v6 =	vadd.f32 v8, v7  }
0x9c: {  	s18 =	simm.s32 $0x80;
	[tilespmem:s11+$0x11A20] =	vst v0;
	v0 =	vld [tilespmem:s11+$0x3A60]  }
0x9d: {  	s12 =	simm.s32 $0x400;
	v5 =	vadd.f32 v9, v5;
	v1 =	vld [tilespmem:s18+$0x3A70];
	[tilespmem:s11+$0x11A30] =	vst v6  }
.LBB2_5:
0x9e: {  	p0 =	sne.s32 s12, $0xDE00;
	v6 =	vld [tilespmem:s18+$0xAA70]  }
0x9f: {  	v7 =	vld [tilespmem:s18+$0x3A00];
	[tilespmem:s11+$0x11A40] =	vst v5;
	v2 =	vadd.f32 v3, v2  }
0xa0: {  	v3 =	vld [tilespmem:s18+$0xAA00]  }
0xa1: {  	v5 =	vld [tilespmem:s18+$0x3A10];
	[tilespmem:s11+$0x11A50] =	vst v2;
	v0 =	vadd.f32 v4, v0  }
0xa2: {  	v2 =	vld [tilespmem:s18+$0xAA10]  }
0xa3: {  	v4 =	vld [tilespmem:s18+$0x3A20];
	v1 =	vadd.f32 v6, v1;
	[tilespmem:s11+$0x11A60] =	vst v0;
	s11 =	smov.u32 s18  }
0xa4: {  	v0 =	vld [tilespmem:s11+$0xAA20]  }
0xa5: {  	v3 =	vadd.f32 v3, v7;
	v6 =	vld [tilespmem:s11+$0x3A30];
	[tilespmem:s11+$0x11A70] =	vst v1  }
0xa6: {  	v1 =	vld [tilespmem:s11+$0xAA30]  }
0xa7: {  	[tilespmem:s11+$0x11A00] =	vst v3;
	v2 =	vadd.f32 v2, v5;
	v5 =	vld [tilespmem:s11+$0x3A40]  }
0xa8: {  	v7 =	vld [tilespmem:s11+$0xAA40]  }
.Ltmp3:
0xa9: {  	[tilespmem:s11+$0x11A10] =	vst v2;
	v0 =	vadd.f32 v0, v4;
	v2 =	vld [tilespmem:s11+$0x3A50];
	(pc) =	sbr.rel @p0 .LBB2_5-.Ltmp3, $4  }
0xaa: {  	v3 =	vld [tilespmem:s11+$0xAA50]  }
0xab: {  	[tilespmem:s11+$0x11A20] =	vst v0;
	v6 =	vadd.f32 v1, v6;
	v0 =	vld [tilespmem:s11+$0x3A60]  }
0xac: {  	s18 =	sshra.s32 s12, $0x2;
	v4 =	vld [tilespmem:s11+$0xAA60]  }
0xad: {  	s12 =	sadd.s32 $0x200, s12;
	v1 =	vld [tilespmem:s18+$0x3A70];
	[tilespmem:s11+$0x11A30] =	vst v6;
	v5 =	vadd.f32 v7, v5  }
0xae: {  	v6 =	vld [tilespmem:s18+$0xAA70]  }
0xaf: {  	v7 =	vld [tilespmem:s18+$0x3A00];
	[tilespmem:s11+$0x11A40] =	vst v5;
	v2 =	vadd.f32 v3, v2  }
0xb0: {  	v51 =	vld [tilespmem:s18+$0xAA00]  }
0xb1: {  	v5 =	vld [tilespmem:s18+$0x3A10];
	[tilespmem:s11+$0x11A50] =	vst v2;
	v0 =	vadd.f32 v4, v0  }
0xb2: {  	v2 =	vld [tilespmem:s18+$0xAA10]  }
0xb3: {  	v52 =	vld [tilespmem:s18+$0x3A20];
	[tilespmem:s11+$0x11A60] =	vst v0  }
0xb4: {  	v54 =	vld [tilespmem:s18+$0xAA20]  }
0xb5: {  	v55 =	vld [tilespmem:s18+$0x3A30]  }
0xb6: {  	v56 =	vld [tilespmem:s18+$0xAA30]  }
0xb7: {  	v57 =	vld [tilespmem:s18+$0x3A40]  }
0xb8: {  	v58 =	vld [tilespmem:s18+$0xAA40]  }
0xb9: {  	v59 =	vld [tilespmem:s18+$0x3A50]  }
0xba: {  	v53 =	vadd.f32 v6, v1;
	v60 =	vld [tilespmem:s18+$0xAA50]  }
0xbb: {  	v61 =	vld [tilespmem:s18+$0x3A60];
	v3 =	vadd.f32 v51, v7  }
0xbc: {  	v62 =	vld [tilespmem:s18+$0xAA60];
	[tilespmem:s18+$0x11A70] =	vst v53;
	v2 =	vadd.f32 v2, v5  }
0xbd: {  	[tilespmem:s18+$0x11A00] =	vst v3;
	v1 =	vadd.f32 v54, v52  }
0xbe: {  	[tilespmem:s18+$0x11A10] =	vst v2;
	v0 =	vadd.f32 v56, v55  }
0xbf: {  	v3 =	vadd.f32 v58, v57;
	[tilespmem:s18+$0x11A20] =	vst v1  }
.Ltmp4:
0xc0: {  	v63 =	vadd.f32 v60, v59;
	[tilespmem:s18+$0x11A30] =	vst v0;
	(pc) =	sbr.rel @p1 .LBB2_8-.Ltmp4, $4  }
0xc1: {  	s16 =	sadd.s32 s10, s14;
	[tilespmem:s18+$0x11A40] =	vst v3;
	v1 =	vadd.f32 v62, v61  }
0xc2: {  	s11 =	sshll.u32 s16, $0x4;
	[tilespmem:s18+$0x11A50] =	vst v63  }
0xc3: {  	s11 =	sadd.s32 s6, s11;
	[tilespmem:s18+$0x11A60] =	vst v1  }
0xc4: {  	[hbm4b:s11+s7] =	stream.linear.scatter [tilespmem:s4], [sflag:$0x6], $0x3800, $0x38;
	[tilespmem:$0x15200] =	vst v63  }
0xc5: {  	s10 =	sadd.s32 s10, s15  }
0xc6: {  	s10 =	sshrl.u32 s10, $0x3  }
0xc7: {  	s11 =	sadd.s32 s3, s10  }
0xc8: {  	[tilespmem:s22], [sflag:$0x7] =	stream.linear.gather [hbm4b:s11+s7], $0x70, $0x38;
	[tilespmem:$0x15200] =	vst v63  }
0xc9: {  	_ =	swait.ge [sflag:s17], $0x70  }
0xca: {  	[sflag:s17] =	ssyncset.done $0x0  }
0xcb: {  	s10 =	sadd.s32 s5, s10;
	[sflag:s17] =	ssyncadd.s32 $0xFFFFFF90  }
0xcc: {  	[tilespmem:s23], [sflag:$0x7] =	stream.linear.gather [hbm4b:s10+s7], $0x70, $0x38;
	[tilespmem:$0x15200] =	vst v63  }
0xcd: {  	_ =	swait.ge [sflag:s17], $0x70  }
.Ltmp5:
0xce: {  	[sflag:s17] =	ssyncset.done $0x0;
	(pc) =	sbr.rel .LBB2_2-.Ltmp5, $4  }
0xcf: {  	[sflag:s17] =	ssyncadd.s32 $0xFFFFFF90  }
0xd0: {  	[tilespmem:s24], [sflag:$0x2] =	stream.indirect.gather [hbm4b:s0+s19], $0x80, s22, s19, $0xb8;
	[tilespmem:$0x15200] =	vst v63  }
0xd1: {  	s9 =	sadd.s32 $0x1, s9  }
0xd2: {  	[tilespmem:s25], [sflag:$0x4] =	stream.indirect.gather [hbm4b:s2+s19], $0x80, s23, s19, $0xb8;
	[tilespmem:$0x15200] =	vst v63  }
.LBB2_9:
0xd3: {  	_ =	sfence.sel $0x180000  }
0xd4: {  	[bflag:$0x0] =	sbarrier.arrive $0xFFFF  }
0xd5: {  	_ =	strace $0x90000047  }
0xd6: {  	s0 =	stileid.u32;
	[bflag:$0x2] =	sbarrier.arrive $0xFFFF  }
0xd7: {  	p0 =	sne.s32 s0, $0x0;
	s0 =	rddreg [dreg:$0x5]  }
0xd8: {  	s0 =	sadd.s32 @!p0 $0x100000, s0  }
0xd9: {  	[sflag:s0] =	ssyncadd.tile.s32 @!p0 $0x1;
	_ =	shalt  }
.Lfunc_end2:
_tile_overlayer_lowered:
.L_overlay_start_2:
0xda: {  	(tag) =	ssettag $0x2  }
0xdb: {  	s0 =	rddreg [dreg:$0x0];
	s2 =	stileid.u32  }
0xdc: {  	s1 =	rddreg [dreg:$0x1];
	p0 =	sne.s32 s2, $0x0  }
0xdd: {  	s3 =	rddreg [dreg:$0x2];
	[bflag:$0x3] =	sbarrier.arrive $0xFFFF;
	s2 =	simm.s32 @!p0 $0x1C07  }
0xde: {  	[timem:s3], [sflag:s2] =	dma.local @!p0 [hbm:s0], s1  }
0xdf: {  	s0 =	simm.s32 @!p0 $0x7  }
0xe0: {  	_ =	swait.ge @!p0 [sflag:s0], s1  }
0xe1: {  	s1 =	ssub.s32 @!p0 $0x0, s1;
	[sflag:s0] =	ssyncset.done @!p0 $0x0  }
0xe2: {  	[sflag:s0] =	ssyncadd.s32 @!p0 s1  }
0xe3: {  	[bflag:$0x3] =	sbarrier.arrive $0xFFFF  }
0xe4: {  	_ =	shalt  }

</sc_bundles>
